<compile_context>
chip_gen: v7x
topology: tpu7x:2x2x1
jax: 0.10.2.dev20260603
libtpu: 0.0.44.dev20260713+nightly
codegen_flags: <defaults>
</compile_context>

<pallas_src>
import functools

import jax
import jax.numpy as jnp
from jax import lax
from jax.experimental import pallas as pl
from jax.experimental.pallas import tpu as pltpu
from jax.experimental.pallas import tpu_sc as plsc

N_ROWS = 100000
NUM_CLASSES = 100
EMB_DIM = 128
NSF = 9
OUT_DIM = 256
XS_BASE = 120

S_SC = 40960
N_TC = N_ROWS - S_SC
BLOCK_R = 4920
NW = 32
B_PER_W = S_SC // NW
CHUNK = 128
N_CHUNKS = B_PER_W // CHUNK


def _tc_body(x_ref, emb_ref, w1t_ref, w2t_ref, b_ref, out_ref, m_ref):
    @pl.when(pl.program_id(0) == 0)
    def _init():
        m = jnp.dot(emb_ref[...], w1t_ref[...], preferred_element_type=jnp.float32)
        row = jax.lax.broadcasted_iota(jnp.int32, (EMB_DIM, OUT_DIM), 0)
        m_ref[...] = m + jnp.where(row <= NUM_CLASSES, b_ref[...], 0.0)
        m_ref[XS_BASE:XS_BASE + NSF - 1, :] = w2t_ref[...]

    xb = x_ref[...]
    laneb = jax.lax.broadcasted_iota(jnp.int32, (1, EMB_DIM), 1).astype(jnp.bfloat16)
    onehot = jnp.where(laneb == xb[:, 0:1].astype(jnp.bfloat16),
                       jnp.bfloat16(1), jnp.bfloat16(0))
    xs = xb[:, 1:NSF].astype(jnp.bfloat16)
    shifted = jnp.concatenate(
        [jnp.zeros((BLOCK_R, XS_BASE), jnp.bfloat16), xs], axis=1)
    a = onehot + shifted
    out_ref[...] = jnp.dot(a, m_ref[...].astype(jnp.bfloat16),
                           preferred_element_type=jnp.float32)


def _tc_part(x_tail, emb_pad, w1t, w2t, b2d):
    return pl.pallas_call(
        _tc_body,
        grid=(N_TC // BLOCK_R,),
        in_specs=[
            pl.BlockSpec((BLOCK_R, NSF), lambda i: (i, 0)),
            pl.BlockSpec((EMB_DIM, EMB_DIM), lambda i: (0, 0)),
            pl.BlockSpec((EMB_DIM, OUT_DIM), lambda i: (0, 0)),
            pl.BlockSpec((NSF - 1, OUT_DIM), lambda i: (0, 0)),
            pl.BlockSpec((1, OUT_DIM), lambda i: (0, 0)),
        ],
        out_specs=pl.BlockSpec((BLOCK_R, OUT_DIM), lambda i: (i, 0)),
        out_shape=jax.ShapeDtypeStruct((N_TC, OUT_DIM), jnp.float32),
        scratch_shapes=[pltpu.VMEM((EMB_DIM, OUT_DIM), jnp.float32)],
    )(x_tail, emb_pad, w1t, w2t, b2d)


def _sc_gather(table, idx):
    mesh = plsc.VectorSubcoreMesh(core_axis_name="c", subcore_axis_name="s")

    @functools.partial(
        pl.kernel, mesh=mesh,
        out_type=jax.ShapeDtypeStruct((S_SC, OUT_DIM), jnp.float32),
        scratch_types=[
            pltpu.VMEM((B_PER_W,), jnp.int32),
            pltpu.VMEM((CHUNK, OUT_DIM), jnp.float32),
            pltpu.VMEM((CHUNK, OUT_DIM), jnp.float32),
            pltpu.SemaphoreType.DMA,
            pltpu.SemaphoreType.DMA,
            pltpu.SemaphoreType.DMA,
            pltpu.SemaphoreType.DMA,
        ],
    )
    def k(table_hbm, idx_hbm, out_hbm, idx_v, rows0, rows1, sg0, sg1, ss0, ss1):
        wid = lax.axis_index("s") * 2 + lax.axis_index("c")
        base = wid * B_PER_W
        pltpu.sync_copy(idx_hbm.at[pl.ds(base, B_PER_W)], idx_v)
        bufs = (rows0, rows1)
        gsems = (sg0, sg1)
        ssems = (ss0, ss1)
        gd = [None] * N_CHUNKS
        sd = [None] * N_CHUNKS
        gd[0] = pltpu.async_copy(
            table_hbm.at[idx_v.at[pl.ds(0, CHUNK)]], bufs[0], gsems[0])
        for c in range(N_CHUNKS):
            nxt = c + 1
            if nxt < N_CHUNKS:
                if sd[nxt - 2] is not None:
                    sd[nxt - 2].wait()
                gd[nxt] = pltpu.async_copy(
                    table_hbm.at[idx_v.at[pl.ds(nxt * CHUNK, CHUNK)]],
                    bufs[nxt % 2], gsems[nxt % 2])
            gd[c].wait()
            sd[c] = pltpu.async_copy(
                bufs[c % 2], out_hbm.at[pl.ds(base + c * CHUNK, CHUNK)],
                ssems[c % 2])
        sd[N_CHUNKS - 2].wait()
        sd[N_CHUNKS - 1].wait()

    return k(table, idx)


def kernel(x, emb_table, W, b):
    if x.ndim == 1:
        x = x[:, None]
    emb_pad = jnp.pad(emb_table, ((0, EMB_DIM - (NUM_CLASSES + 1)), (0, 0)))
    w1t = W[:, :EMB_DIM].T
    w2t = W[:, EMB_DIM:].T
    b2d = b.reshape(1, OUT_DIM)
    table = emb_pad @ w1t + b2d
    idx = x[:S_SC, 0].astype(jnp.int32)
    sc_out = _sc_gather(table, idx)
    tc_out = _tc_part(x[S_SC:], emb_pad, w1t, w2t, b2d)
    return tc_out, sc_out

# --- scband reference (transcript-rebuilt; emitter-appended) ---
"""Pipeline reference for scband-embedding-block-49864570306570 (READ-ONLY COPY).

The authoritative reference and input builder live on the scoring server;
editing this copy changes nothing except your own understanding.
"""

import jax, jax.numpy as jnp
import numpy as np

N = 100000
NUM_CLASSES = 100
EMB_DIM = 128
NSF = 9
OUT_DIM = 256

def setup_inputs(seed: int = 0) -> dict:
    key = jax.random.key(seed)
    k1, k2, k3, k4 = jax.random.split(key, 4)
    # x: first column is atom-type index (stored as float), rest are scalar features
    x = jax.random.randint(k1, (N, NSF), 0, NUM_CLASSES + 1).astype(jnp.float32)
    emb_table = jax.random.normal(k2, (NUM_CLASSES + 1, EMB_DIM), dtype=jnp.float32)
    fan_in = EMB_DIM + NSF - 1
    bound = 1.0 / np.sqrt(fan_in)
    W = jax.random.uniform(k3, (OUT_DIM, fan_in), minval=-bound, maxval=bound, dtype=jnp.float32)
    b = jax.random.uniform(k4, (OUT_DIM,), minval=-bound, maxval=bound, dtype=jnp.float32)
    return {"x": x, "emb_table": emb_table, "W": W, "b": b}

def reference(x, emb_table, W, b):
    # EmbeddingBlock.forward: embed x[:,0] as atom type, concat scalar feats, linear
    if x.ndim == 1:
        x = x[:, None]
    idx = x[:, 0].astype(jnp.int32)
    embedding = jnp.take(emb_table, idx, axis=0)
    feat = jnp.concatenate([embedding, x[:, 1:]], axis=-1)
    return feat @ W.T + b

if __name__ == "__main__":
    import jax
    _d = setup_inputs()
    print(jax.jit(kernel)(*tuple(_d.values())))

</pallas_src>

<mosaic_0001>
#map = affine_map<(d0, d1) -> (0, 0)>
#map1 = affine_map<(d0, d1) -> (0)>
module attributes {stable_mosaic.version = 14 : i64} {
  func.func @k(%arg0: i32, %arg1: i32, %arg2: memref<128x256xf32, #tpu.memory_space<hbm>>, %arg3: memref<40960xi32, #tpu.memory_space<hbm>>, %arg4: memref<40960x256xf32, #tpu.memory_space<hbm>>, %arg5: memref<1280xi32, #tpu.memory_space<vmem>>, %arg6: memref<128x256xf32, #tpu.memory_space<vmem>>, %arg7: memref<128x256xf32, #tpu.memory_space<vmem>>, %arg8: memref<!tpu.dma_semaphore, #tpu.memory_space<semaphore_mem>>, %arg9: memref<!tpu.dma_semaphore, #tpu.memory_space<semaphore_mem>>, %arg10: memref<!tpu.dma_semaphore, #tpu.memory_space<semaphore_mem>>, %arg11: memref<!tpu.dma_semaphore, #tpu.memory_space<semaphore_mem>>) attributes {dimension_semantics = [#tpu.dimension_semantics<core_parallel>, #tpu.dimension_semantics<subcore_parallel>], iteration_bounds = array<i64: 2, 16>, scalar_prefetch = 0 : i64, scratch_operands = 7 : i64, tpu.core_type = #tpu.core_type<sc_vector_subcore>, window_params = [{transform_indices = #map}, {transform_indices = #map1}, {transform_indices = #map}]} {
    %mul3A = arith.constant 2 : i32
    %mul3A_0 = arith.muli %arg1, %mul3A : i32
    %add3A = arith.addi %mul3A_0, %arg0 : i32
    %mul3A_1 = arith.constant 1280 : i32
    %mul3A_2 = arith.muli %add3A, %mul3A_1 : i32
    "tpu.region"() ({
      %run_scoped3A = tpu.sem_alloc : memref<!tpu.dma_semaphore, #tpu.memory_space<semaphore_mem>>
      %dma_start3A_201 = tpu.memref_slice %arg3[%mul3A_2] : memref<40960xi32, #tpu.memory_space<hbm>> -> memref<1280xi32, #tpu.memory_space<hbm>>
      %dma_start3A_202 = tpu.memref_slice %arg3[%mul3A_2] : memref<40960xi32, #tpu.memory_space<hbm>> -> memref<1280xi32, #tpu.memory_space<hbm>>
      tpu.enqueue_dma source(%dma_start3A_202 : memref<1280xi32, #tpu.memory_space<hbm>>) target(%arg5 : memref<1280xi32, #tpu.memory_space<vmem>>) target_semaphore(%run_scoped3A : memref<!tpu.dma_semaphore, #tpu.memory_space<semaphore_mem>>)
      %dma_wait3A_203 = tpu.memref_slice %arg3[%mul3A_2] : memref<40960xi32, #tpu.memory_space<hbm>> -> memref<1280xi32, #tpu.memory_space<hbm>>
      %dma_wait3A_204 = tpu.memref_slice %arg3[%mul3A_2] : memref<40960xi32, #tpu.memory_space<hbm>> -> memref<1280xi32, #tpu.memory_space<hbm>>
      tpu.wait_dma2 semaphore(%run_scoped3A : memref<!tpu.dma_semaphore, #tpu.memory_space<semaphore_mem>>) src(%dma_wait3A_204 : memref<1280xi32, #tpu.memory_space<hbm>>) dst(%arg5 : memref<1280xi32, #tpu.memory_space<vmem>>)
      tpu.yield
    }) : () -> ()
    %dma_start3A = arith.constant 0 : i32
    %dma_start3A_3 = tpu.memref_slice %arg5[%dma_start3A] : memref<1280xi32, #tpu.memory_space<vmem>> -> memref<128xi32, #tpu.memory_space<vmem>>
    %dma_start3A_4 = arith.constant 0 : i32
    %dma_start3A_5 = arith.constant 0 : i32
    %dma_start3A_6 = tpu.memref_slice %arg2[%dma_start3A_4, %dma_start3A_5] : memref<128x256xf32, #tpu.memory_space<hbm>> -> memref<128x256xf32, #tpu.memory_space<hbm>>
    tpu.enqueue_indirect_dma source(%dma_start3A_6 : memref<128x256xf32, #tpu.memory_space<hbm>>) target(%arg6 : memref<128x256xf32, #tpu.memory_space<vmem>>) offsets(%dma_start3A_3 : memref<128xi32, #tpu.memory_space<vmem>>) semaphore(%arg8 : memref<!tpu.dma_semaphore, #tpu.memory_space<semaphore_mem>>)
    %dma_start3A_7 = arith.constant 128 : i32
    %dma_start3A_8 = tpu.memref_slice %arg5[%dma_start3A_7] : memref<1280xi32, #tpu.memory_space<vmem>> -> memref<128xi32, #tpu.memory_space<vmem>>
    %dma_start3A_9 = arith.constant 0 : i32
    %dma_start3A_10 = arith.constant 0 : i32
    %dma_start3A_11 = tpu.memref_slice %arg2[%dma_start3A_9, %dma_start3A_10] : memref<128x256xf32, #tpu.memory_space<hbm>> -> memref<128x256xf32, #tpu.memory_space<hbm>>
    tpu.enqueue_indirect_dma source(%dma_start3A_11 : memref<128x256xf32, #tpu.memory_space<hbm>>) target(%arg7 : memref<128x256xf32, #tpu.memory_space<vmem>>) offsets(%dma_start3A_8 : memref<128xi32, #tpu.memory_space<vmem>>) semaphore(%arg9 : memref<!tpu.dma_semaphore, #tpu.memory_space<semaphore_mem>>)
    %dma_wait3A = arith.constant 0 : i32
    %dma_wait3A_12 = tpu.memref_slice %arg5[%dma_wait3A] : memref<1280xi32, #tpu.memory_space<vmem>> -> memref<128xi32, #tpu.memory_space<vmem>>
    %dma_wait3A_13 = arith.constant 0 : i32
    %dma_wait3A_14 = arith.constant 0 : i32
    %dma_wait3A_15 = tpu.memref_slice %arg2[%dma_wait3A_13, %dma_wait3A_14] : memref<128x256xf32, #tpu.memory_space<hbm>> -> memref<128x256xf32, #tpu.memory_space<hbm>>
    tpu.wait_indirect_dma semaphore(%arg8 : memref<!tpu.dma_semaphore, #tpu.memory_space<semaphore_mem>>) src(%dma_wait3A_15 : memref<128x256xf32, #tpu.memory_space<hbm>>) dst(%arg6 : memref<128x256xf32, #tpu.memory_space<vmem>>)
    %add3A_16 = arith.constant 0 : i32
    %add3A_17 = arith.addi %mul3A_2, %add3A_16 : i32
    %dma_start3A_18 = arith.constant 0 : i32
    %dma_start3A_19 = tpu.memref_slice %arg4[%add3A_17, %dma_start3A_18] : memref<40960x256xf32, #tpu.memory_space<hbm>> -> memref<128x256xf32, #tpu.memory_space<hbm>>
    %dma_start3A_20 = arith.constant 0 : i32
    %dma_start3A_21 = tpu.memref_slice %arg4[%add3A_17, %dma_start3A_20] : memref<40960x256xf32, #tpu.memory_space<hbm>> -> memref<128x256xf32, #tpu.memory_space<hbm>>
    tpu.enqueue_dma source(%arg6 : memref<128x256xf32, #tpu.memory_space<vmem>>) target(%dma_start3A_21 : memref<128x256xf32, #tpu.memory_space<hbm>>) target_semaphore(%arg10 : memref<!tpu.dma_semaphore, #tpu.memory_space<semaphore_mem>>)
    %dma_wait3A_22 = arith.constant 0 : i32
    %dma_wait3A_23 = tpu.memref_slice %arg4[%add3A_17, %dma_wait3A_22] : memref<40960x256xf32, #tpu.memory_space<hbm>> -> memref<128x256xf32, #tpu.memory_space<hbm>>
    %dma_wait3A_24 = arith.constant 0 : i32
    %dma_wait3A_25 = tpu.memref_slice %arg4[%add3A_17, %dma_wait3A_24] : memref<40960x256xf32, #tpu.memory_space<hbm>> -> memref<128x256xf32, #tpu.memory_space<hbm>>
    tpu.wait_dma2 semaphore(%arg10 : memref<!tpu.dma_semaphore, #tpu.memory_space<semaphore_mem>>) src(%arg6 : memref<128x256xf32, #tpu.memory_space<vmem>>) dst(%dma_wait3A_25 : memref<128x256xf32, #tpu.memory_space<hbm>>)
    %dma_start3A_26 = arith.constant 256 : i32
    %dma_start3A_27 = tpu.memref_slice %arg5[%dma_start3A_26] : memref<1280xi32, #tpu.memory_space<vmem>> -> memref<128xi32, #tpu.memory_space<vmem>>
    %dma_start3A_28 = arith.constant 0 : i32
    %dma_start3A_29 = arith.constant 0 : i32
    %dma_start3A_30 = tpu.memref_slice %arg2[%dma_start3A_28, %dma_start3A_29] : memref<128x256xf32, #tpu.memory_space<hbm>> -> memref<128x256xf32, #tpu.memory_space<hbm>>
    tpu.enqueue_indirect_dma source(%dma_start3A_30 : memref<128x256xf32, #tpu.memory_space<hbm>>) target(%arg6 : memref<128x256xf32, #tpu.memory_space<vmem>>) offsets(%dma_start3A_27 : memref<128xi32, #tpu.memory_space<vmem>>) semaphore(%arg8 : memref<!tpu.dma_semaphore, #tpu.memory_space<semaphore_mem>>)
    %dma_wait3A_31 = arith.constant 128 : i32
    %dma_wait3A_32 = tpu.memref_slice %arg5[%dma_wait3A_31] : memref<1280xi32, #tpu.memory_space<vmem>> -> memref<128xi32, #tpu.memory_space<vmem>>
    %dma_wait3A_33 = arith.constant 0 : i32
    %dma_wait3A_34 = arith.constant 0 : i32
    %dma_wait3A_35 = tpu.memref_slice %arg2[%dma_wait3A_33, %dma_wait3A_34] : memref<128x256xf32, #tpu.memory_space<hbm>> -> memref<128x256xf32, #tpu.memory_space<hbm>>
    tpu.wait_indirect_dma semaphore(%arg9 : memref<!tpu.dma_semaphore, #tpu.memory_space<semaphore_mem>>) src(%dma_wait3A_35 : memref<128x256xf32, #tpu.memory_space<hbm>>) dst(%arg7 : memref<128x256xf32, #tpu.memory_space<vmem>>)
    %add3A_36 = arith.constant 128 : i32
    %add3A_37 = arith.addi %mul3A_2, %add3A_36 : i32
    %dma_start3A_38 = arith.constant 0 : i32
    %dma_start3A_39 = tpu.memref_slice %arg4[%add3A_37, %dma_start3A_38] : memref<40960x256xf32, #tpu.memory_space<hbm>> -> memref<128x256xf32, #tpu.memory_space<hbm>>
    %dma_start3A_40 = arith.constant 0 : i32
    %dma_start3A_41 = tpu.memref_slice %arg4[%add3A_37, %dma_start3A_40] : memref<40960x256xf32, #tpu.memory_space<hbm>> -> memref<128x256xf32, #tpu.memory_space<hbm>>
    tpu.enqueue_dma source(%arg7 : memref<128x256xf32, #tpu.memory_space<vmem>>) target(%dma_start3A_41 : memref<128x256xf32, #tpu.memory_space<hbm>>) target_semaphore(%arg11 : memref<!tpu.dma_semaphore, #tpu.memory_space<semaphore_mem>>)
    %dma_wait3A_42 = arith.constant 0 : i32
    %dma_wait3A_43 = tpu.memref_slice %arg4[%add3A_37, %dma_wait3A_42] : memref<40960x256xf32, #tpu.memory_space<hbm>> -> memref<128x256xf32, #tpu.memory_space<hbm>>
    %dma_wait3A_44 = arith.constant 0 : i32
    %dma_wait3A_45 = tpu.memref_slice %arg4[%add3A_37, %dma_wait3A_44] : memref<40960x256xf32, #tpu.memory_space<hbm>> -> memref<128x256xf32, #tpu.memory_space<hbm>>
    tpu.wait_dma2 semaphore(%arg11 : memref<!tpu.dma_semaphore, #tpu.memory_space<semaphore_mem>>) src(%arg7 : memref<128x256xf32, #tpu.memory_space<vmem>>) dst(%dma_wait3A_45 : memref<128x256xf32, #tpu.memory_space<hbm>>)
    %dma_start3A_46 = arith.constant 384 : i32
    %dma_start3A_47 = tpu.memref_slice %arg5[%dma_start3A_46] : memref<1280xi32, #tpu.memory_space<vmem>> -> memref<128xi32, #tpu.memory_space<vmem>>
    %dma_start3A_48 = arith.constant 0 : i32
    %dma_start3A_49 = arith.constant 0 : i32
    %dma_start3A_50 = tpu.memref_slice %arg2[%dma_start3A_48, %dma_start3A_49] : memref<128x256xf32, #tpu.memory_space<hbm>> -> memref<128x256xf32, #tpu.memory_space<hbm>>
    tpu.enqueue_indirect_dma source(%dma_start3A_50 : memref<128x256xf32, #tpu.memory_space<hbm>>) target(%arg7 : memref<128x256xf32, #tpu.memory_space<vmem>>) offsets(%dma_start3A_47 : memref<128xi32, #tpu.memory_space<vmem>>) semaphore(%arg9 : memref<!tpu.dma_semaphore, #tpu.memory_space<semaphore_mem>>)
    %dma_wait3A_51 = arith.constant 256 : i32
    %dma_wait3A_52 = tpu.memref_slice %arg5[%dma_wait3A_51] : memref<1280xi32, #tpu.memory_space<vmem>> -> memref<128xi32, #tpu.memory_space<vmem>>
    %dma_wait3A_53 = arith.constant 0 : i32
    %dma_wait3A_54 = arith.constant 0 : i32
    %dma_wait3A_55 = tpu.memref_slice %arg2[%dma_wait3A_53, %dma_wait3A_54] : memref<128x256xf32, #tpu.memory_space<hbm>> -> memref<128x256xf32, #tpu.memory_space<hbm>>
    tpu.wait_indirect_dma semaphore(%arg8 : memref<!tpu.dma_semaphore, #tpu.memory_space<semaphore_mem>>) src(%dma_wait3A_55 : memref<128x256xf32, #tpu.memory_space<hbm>>) dst(%arg6 : memref<128x256xf32, #tpu.memory_space<vmem>>)
    %add3A_56 = arith.constant 256 : i32
    %add3A_57 = arith.addi %mul3A_2, %add3A_56 : i32
    %dma_start3A_58 = arith.constant 0 : i32
    %dma_start3A_59 = tpu.memref_slice %arg4[%add3A_57, %dma_start3A_58] : memref<40960x256xf32, #tpu.memory_space<hbm>> -> memref<128x256xf32, #tpu.memory_space<hbm>>
    %dma_start3A_60 = arith.constant 0 : i32
    %dma_start3A_61 = tpu.memref_slice %arg4[%add3A_57, %dma_start3A_60] : memref<40960x256xf32, #tpu.memory_space<hbm>> -> memref<128x256xf32, #tpu.memory_space<hbm>>
    tpu.enqueue_dma source(%arg6 : memref<128x256xf32, #tpu.memory_space<vmem>>) target(%dma_start3A_61 : memref<128x256xf32, #tpu.memory_space<hbm>>) target_semaphore(%arg10 : memref<!tpu.dma_semaphore, #tpu.memory_space<semaphore_mem>>)
    %dma_wait3A_62 = arith.constant 0 : i32
    %dma_wait3A_63 = tpu.memref_slice %arg4[%add3A_57, %dma_wait3A_62] : memref<40960x256xf32, #tpu.memory_space<hbm>> -> memref<128x256xf32, #tpu.memory_space<hbm>>
    %dma_wait3A_64 = arith.constant 0 : i32
    %dma_wait3A_65 = tpu.memref_slice %arg4[%add3A_57, %dma_wait3A_64] : memref<40960x256xf32, #tpu.memory_space<hbm>> -> memref<128x256xf32, #tpu.memory_space<hbm>>
    tpu.wait_dma2 semaphore(%arg10 : memref<!tpu.dma_semaphore, #tpu.memory_space<semaphore_mem>>) src(%arg6 : memref<128x256xf32, #tpu.memory_space<vmem>>) dst(%dma_wait3A_65 : memref<128x256xf32, #tpu.memory_space<hbm>>)
    %dma_start3A_66 = arith.constant 512 : i32
    %dma_start3A_67 = tpu.memref_slice %arg5[%dma_start3A_66] : memref<1280xi32, #tpu.memory_space<vmem>> -> memref<128xi32, #tpu.memory_space<vmem>>
    %dma_start3A_68 = arith.constant 0 : i32
    %dma_start3A_69 = arith.constant 0 : i32
    %dma_start3A_70 = tpu.memref_slice %arg2[%dma_start3A_68, %dma_start3A_69] : memref<128x256xf32, #tpu.memory_space<hbm>> -> memref<128x256xf32, #tpu.memory_space<hbm>>
    tpu.enqueue_indirect_dma source(%dma_start3A_70 : memref<128x256xf32, #tpu.memory_space<hbm>>) target(%arg6 : memref<128x256xf32, #tpu.memory_space<vmem>>) offsets(%dma_start3A_67 : memref<128xi32, #tpu.memory_space<vmem>>) semaphore(%arg8 : memref<!tpu.dma_semaphore, #tpu.memory_space<semaphore_mem>>)
    %dma_wait3A_71 = arith.constant 384 : i32
    %dma_wait3A_72 = tpu.memref_slice %arg5[%dma_wait3A_71] : memref<1280xi32, #tpu.memory_space<vmem>> -> memref<128xi32, #tpu.memory_space<vmem>>
    %dma_wait3A_73 = arith.constant 0 : i32
    %dma_wait3A_74 = arith.constant 0 : i32
    %dma_wait3A_75 = tpu.memref_slice %arg2[%dma_wait3A_73, %dma_wait3A_74] : memref<128x256xf32, #tpu.memory_space<hbm>> -> memref<128x256xf32, #tpu.memory_space<hbm>>
    tpu.wait_indirect_dma semaphore(%arg9 : memref<!tpu.dma_semaphore, #tpu.memory_space<semaphore_mem>>) src(%dma_wait3A_75 : memref<128x256xf32, #tpu.memory_space<hbm>>) dst(%arg7 : memref<128x256xf32, #tpu.memory_space<vmem>>)
    %add3A_76 = arith.constant 384 : i32
    %add3A_77 = arith.addi %mul3A_2, %add3A_76 : i32
    %dma_start3A_78 = arith.constant 0 : i32
    %dma_start3A_79 = tpu.memref_slice %arg4[%add3A_77, %dma_start3A_78] : memref<40960x256xf32, #tpu.memory_space<hbm>> -> memref<128x256xf32, #tpu.memory_space<hbm>>
    %dma_start3A_80 = arith.constant 0 : i32
    %dma_start3A_81 = tpu.memref_slice %arg4[%add3A_77, %dma_start3A_80] : memref<40960x256xf32, #tpu.memory_space<hbm>> -> memref<128x256xf32, #tpu.memory_space<hbm>>
    tpu.enqueue_dma source(%arg7 : memref<128x256xf32, #tpu.memory_space<vmem>>) target(%dma_start3A_81 : memref<128x256xf32, #tpu.memory_space<hbm>>) target_semaphore(%arg11 : memref<!tpu.dma_semaphore, #tpu.memory_space<semaphore_mem>>)
    %dma_wait3A_82 = arith.constant 0 : i32
    %dma_wait3A_83 = tpu.memref_slice %arg4[%add3A_77, %dma_wait3A_82] : memref<40960x256xf32, #tpu.memory_space<hbm>> -> memref<128x256xf32, #tpu.memory_space<hbm>>
    %dma_wait3A_84 = arith.constant 0 : i32
    %dma_wait3A_85 = tpu.memref_slice %arg4[%add3A_77, %dma_wait3A_84] : memref<40960x256xf32, #tpu.memory_space<hbm>> -> memref<128x256xf32, #tpu.memory_space<hbm>>
    tpu.wait_dma2 semaphore(%arg11 : memref<!tpu.dma_semaphore, #tpu.memory_space<semaphore_mem>>) src(%arg7 : memref<128x256xf32, #tpu.memory_space<vmem>>) dst(%dma_wait3A_85 : memref<128x256xf32, #tpu.memory_space<hbm>>)
    %dma_start3A_86 = arith.constant 640 : i32
    %dma_start3A_87 = tpu.memref_slice %arg5[%dma_start3A_86] : memref<1280xi32, #tpu.memory_space<vmem>> -> memref<128xi32, #tpu.memory_space<vmem>>
    %dma_start3A_88 = arith.constant 0 : i32
    %dma_start3A_89 = arith.constant 0 : i32
    %dma_start3A_90 = tpu.memref_slice %arg2[%dma_start3A_88, %dma_start3A_89] : memref<128x256xf32, #tpu.memory_space<hbm>> -> memref<128x256xf32, #tpu.memory_space<hbm>>
    tpu.enqueue_indirect_dma source(%dma_start3A_90 : memref<128x256xf32, #tpu.memory_space<hbm>>) target(%arg7 : memref<128x256xf32, #tpu.memory_space<vmem>>) offsets(%dma_start3A_87 : memref<128xi32, #tpu.memory_space<vmem>>) semaphore(%arg9 : memref<!tpu.dma_semaphore, #tpu.memory_space<semaphore_mem>>)
    %dma_wait3A_91 = arith.constant 512 : i32
    %dma_wait3A_92 = tpu.memref_slice %arg5[%dma_wait3A_91] : memref<1280xi32, #tpu.memory_space<vmem>> -> memref<128xi32, #tpu.memory_space<vmem>>
    %dma_wait3A_93 = arith.constant 0 : i32
    %dma_wait3A_94 = arith.constant 0 : i32
    %dma_wait3A_95 = tpu.memref_slice %arg2[%dma_wait3A_93, %dma_wait3A_94] : memref<128x256xf32, #tpu.memory_space<hbm>> -> memref<128x256xf32, #tpu.memory_space<hbm>>
    tpu.wait_indirect_dma semaphore(%arg8 : memref<!tpu.dma_semaphore, #tpu.memory_space<semaphore_mem>>) src(%dma_wait3A_95 : memref<128x256xf32, #tpu.memory_space<hbm>>) dst(%arg6 : memref<128x256xf32, #tpu.memory_space<vmem>>)
    %add3A_96 = arith.constant 512 : i32
    %add3A_97 = arith.addi %mul3A_2, %add3A_96 : i32
    %dma_start3A_98 = arith.constant 0 : i32
    %dma_start3A_99 = tpu.memref_slice %arg4[%add3A_97, %dma_start3A_98] : memref<40960x256xf32, #tpu.memory_space<hbm>> -> memref<128x256xf32, #tpu.memory_space<hbm>>
    %dma_start3A_100 = arith.constant 0 : i32
    %dma_start3A_101 = tpu.memref_slice %arg4[%add3A_97, %dma_start3A_100] : memref<40960x256xf32, #tpu.memory_space<hbm>> -> memref<128x256xf32, #tpu.memory_space<hbm>>
    tpu.enqueue_dma source(%arg6 : memref<128x256xf32, #tpu.memory_space<vmem>>) target(%dma_start3A_101 : memref<128x256xf32, #tpu.memory_space<hbm>>) target_semaphore(%arg10 : memref<!tpu.dma_semaphore, #tpu.memory_space<semaphore_mem>>)
    %dma_wait3A_102 = arith.constant 0 : i32
    %dma_wait3A_103 = tpu.memref_slice %arg4[%add3A_97, %dma_wait3A_102] : memref<40960x256xf32, #tpu.memory_space<hbm>> -> memref<128x256xf32, #tpu.memory_space<hbm>>
    %dma_wait3A_104 = arith.constant 0 : i32
    %dma_wait3A_105 = tpu.memref_slice %arg4[%add3A_97, %dma_wait3A_104] : memref<40960x256xf32, #tpu.memory_space<hbm>> -> memref<128x256xf32, #tpu.memory_space<hbm>>
    tpu.wait_dma2 semaphore(%arg10 : memref<!tpu.dma_semaphore, #tpu.memory_space<semaphore_mem>>) src(%arg6 : memref<128x256xf32, #tpu.memory_space<vmem>>) dst(%dma_wait3A_105 : memref<128x256xf32, #tpu.memory_space<hbm>>)
    %dma_start3A_106 = arith.constant 768 : i32
    %dma_start3A_107 = tpu.memref_slice %arg5[%dma_start3A_106] : memref<1280xi32, #tpu.memory_space<vmem>> -> memref<128xi32, #tpu.memory_space<vmem>>
    %dma_start3A_108 = arith.constant 0 : i32
    %dma_start3A_109 = arith.constant 0 : i32
    %dma_start3A_110 = tpu.memref_slice %arg2[%dma_start3A_108, %dma_start3A_109] : memref<128x256xf32, #tpu.memory_space<hbm>> -> memref<128x256xf32, #tpu.memory_space<hbm>>
    tpu.enqueue_indirect_dma source(%dma_start3A_110 : memref<128x256xf32, #tpu.memory_space<hbm>>) target(%arg6 : memref<128x256xf32, #tpu.memory_space<vmem>>) offsets(%dma_start3A_107 : memref<128xi32, #tpu.memory_space<vmem>>) semaphore(%arg8 : memref<!tpu.dma_semaphore, #tpu.memory_space<semaphore_mem>>)
    %dma_wait3A_111 = arith.constant 640 : i32
    %dma_wait3A_112 = tpu.memref_slice %arg5[%dma_wait3A_111] : memref<1280xi32, #tpu.memory_space<vmem>> -> memref<128xi32, #tpu.memory_space<vmem>>
    %dma_wait3A_113 = arith.constant 0 : i32
    %dma_wait3A_114 = arith.constant 0 : i32
    %dma_wait3A_115 = tpu.memref_slice %arg2[%dma_wait3A_113, %dma_wait3A_114] : memref<128x256xf32, #tpu.memory_space<hbm>> -> memref<128x256xf32, #tpu.memory_space<hbm>>
    tpu.wait_indirect_dma semaphore(%arg9 : memref<!tpu.dma_semaphore, #tpu.memory_space<semaphore_mem>>) src(%dma_wait3A_115 : memref<128x256xf32, #tpu.memory_space<hbm>>) dst(%arg7 : memref<128x256xf32, #tpu.memory_space<vmem>>)
    %add3A_116 = arith.constant 640 : i32
    %add3A_117 = arith.addi %mul3A_2, %add3A_116 : i32
    %dma_start3A_118 = arith.constant 0 : i32
    %dma_start3A_119 = tpu.memref_slice %arg4[%add3A_117, %dma_start3A_118] : memref<40960x256xf32, #tpu.memory_space<hbm>> -> memref<128x256xf32, #tpu.memory_space<hbm>>
    %dma_start3A_120 = arith.constant 0 : i32
    %dma_start3A_121 = tpu.memref_slice %arg4[%add3A_117, %dma_start3A_120] : memref<40960x256xf32, #tpu.memory_space<hbm>> -> memref<128x256xf32, #tpu.memory_space<hbm>>
    tpu.enqueue_dma source(%arg7 : memref<128x256xf32, #tpu.memory_space<vmem>>) target(%dma_start3A_121 : memref<128x256xf32, #tpu.memory_space<hbm>>) target_semaphore(%arg11 : memref<!tpu.dma_semaphore, #tpu.memory_space<semaphore_mem>>)
    %dma_wait3A_122 = arith.constant 0 : i32
    %dma_wait3A_123 = tpu.memref_slice %arg4[%add3A_117, %dma_wait3A_122] : memref<40960x256xf32, #tpu.memory_space<hbm>> -> memref<128x256xf32, #tpu.memory_space<hbm>>
    %dma_wait3A_124 = arith.constant 0 : i32
    %dma_wait3A_125 = tpu.memref_slice %arg4[%add3A_117, %dma_wait3A_124] : memref<40960x256xf32, #tpu.memory_space<hbm>> -> memref<128x256xf32, #tpu.memory_space<hbm>>
    tpu.wait_dma2 semaphore(%arg11 : memref<!tpu.dma_semaphore, #tpu.memory_space<semaphore_mem>>) src(%arg7 : memref<128x256xf32, #tpu.memory_space<vmem>>) dst(%dma_wait3A_125 : memref<128x256xf32, #tpu.memory_space<hbm>>)
    %dma_start3A_126 = arith.constant 896 : i32
    %dma_start3A_127 = tpu.memref_slice %arg5[%dma_start3A_126] : memref<1280xi32, #tpu.memory_space<vmem>> -> memref<128xi32, #tpu.memory_space<vmem>>
    %dma_start3A_128 = arith.constant 0 : i32
    %dma_start3A_129 = arith.constant 0 : i32
    %dma_start3A_130 = tpu.memref_slice %arg2[%dma_start3A_128, %dma_start3A_129] : memref<128x256xf32, #tpu.memory_space<hbm>> -> memref<128x256xf32, #tpu.memory_space<hbm>>
    tpu.enqueue_indirect_dma source(%dma_start3A_130 : memref<128x256xf32, #tpu.memory_space<hbm>>) target(%arg7 : memref<128x256xf32, #tpu.memory_space<vmem>>) offsets(%dma_start3A_127 : memref<128xi32, #tpu.memory_space<vmem>>) semaphore(%arg9 : memref<!tpu.dma_semaphore, #tpu.memory_space<semaphore_mem>>)
    %dma_wait3A_131 = arith.constant 768 : i32
    %dma_wait3A_132 = tpu.memref_slice %arg5[%dma_wait3A_131] : memref<1280xi32, #tpu.memory_space<vmem>> -> memref<128xi32, #tpu.memory_space<vmem>>
    %dma_wait3A_133 = arith.constant 0 : i32
    %dma_wait3A_134 = arith.constant 0 : i32
    %dma_wait3A_135 = tpu.memref_slice %arg2[%dma_wait3A_133, %dma_wait3A_134] : memref<128x256xf32, #tpu.memory_space<hbm>> -> memref<128x256xf32, #tpu.memory_space<hbm>>
    tpu.wait_indirect_dma semaphore(%arg8 : memref<!tpu.dma_semaphore, #tpu.memory_space<semaphore_mem>>) src(%dma_wait3A_135 : memref<128x256xf32, #tpu.memory_space<hbm>>) dst(%arg6 : memref<128x256xf32, #tpu.memory_space<vmem>>)
    %add3A_136 = arith.constant 768 : i32
    %add3A_137 = arith.addi %mul3A_2, %add3A_136 : i32
    %dma_start3A_138 = arith.constant 0 : i32
    %dma_start3A_139 = tpu.memref_slice %arg4[%add3A_137, %dma_start3A_138] : memref<40960x256xf32, #tpu.memory_space<hbm>> -> memref<128x256xf32, #tpu.memory_space<hbm>>
    %dma_start3A_140 = arith.constant 0 : i32
    %dma_start3A_141 = tpu.memref_slice %arg4[%add3A_137, %dma_start3A_140] : memref<40960x256xf32, #tpu.memory_space<hbm>> -> memref<128x256xf32, #tpu.memory_space<hbm>>
    tpu.enqueue_dma source(%arg6 : memref<128x256xf32, #tpu.memory_space<vmem>>) target(%dma_start3A_141 : memref<128x256xf32, #tpu.memory_space<hbm>>) target_semaphore(%arg10 : memref<!tpu.dma_semaphore, #tpu.memory_space<semaphore_mem>>)
    %dma_wait3A_142 = arith.constant 0 : i32
    %dma_wait3A_143 = tpu.memref_slice %arg4[%add3A_137, %dma_wait3A_142] : memref<40960x256xf32, #tpu.memory_space<hbm>> -> memref<128x256xf32, #tpu.memory_space<hbm>>
    %dma_wait3A_144 = arith.constant 0 : i32
    %dma_wait3A_145 = tpu.memref_slice %arg4[%add3A_137, %dma_wait3A_144] : memref<40960x256xf32, #tpu.memory_space<hbm>> -> memref<128x256xf32, #tpu.memory_space<hbm>>
    tpu.wait_dma2 semaphore(%arg10 : memref<!tpu.dma_semaphore, #tpu.memory_space<semaphore_mem>>) src(%arg6 : memref<128x256xf32, #tpu.memory_space<vmem>>) dst(%dma_wait3A_145 : memref<128x256xf32, #tpu.memory_space<hbm>>)
    %dma_start3A_146 = arith.constant 1024 : i32
    %dma_start3A_147 = tpu.memref_slice %arg5[%dma_start3A_146] : memref<1280xi32, #tpu.memory_space<vmem>> -> memref<128xi32, #tpu.memory_space<vmem>>
    %dma_start3A_148 = arith.constant 0 : i32
    %dma_start3A_149 = arith.constant 0 : i32
    %dma_start3A_150 = tpu.memref_slice %arg2[%dma_start3A_148, %dma_start3A_149] : memref<128x256xf32, #tpu.memory_space<hbm>> -> memref<128x256xf32, #tpu.memory_space<hbm>>
    tpu.enqueue_indirect_dma source(%dma_start3A_150 : memref<128x256xf32, #tpu.memory_space<hbm>>) target(%arg6 : memref<128x256xf32, #tpu.memory_space<vmem>>) offsets(%dma_start3A_147 : memref<128xi32, #tpu.memory_space<vmem>>) semaphore(%arg8 : memref<!tpu.dma_semaphore, #tpu.memory_space<semaphore_mem>>)
    %dma_wait3A_151 = arith.constant 896 : i32
    %dma_wait3A_152 = tpu.memref_slice %arg5[%dma_wait3A_151] : memref<1280xi32, #tpu.memory_space<vmem>> -> memref<128xi32, #tpu.memory_space<vmem>>
    %dma_wait3A_153 = arith.constant 0 : i32
    %dma_wait3A_154 = arith.constant 0 : i32
    %dma_wait3A_155 = tpu.memref_slice %arg2[%dma_wait3A_153, %dma_wait3A_154] : memref<128x256xf32, #tpu.memory_space<hbm>> -> memref<128x256xf32, #tpu.memory_space<hbm>>
    tpu.wait_indirect_dma semaphore(%arg9 : memref<!tpu.dma_semaphore, #tpu.memory_space<semaphore_mem>>) src(%dma_wait3A_155 : memref<128x256xf32, #tpu.memory_space<hbm>>) dst(%arg7 : memref<128x256xf32, #tpu.memory_space<vmem>>)
    %add3A_156 = arith.constant 896 : i32
    %add3A_157 = arith.addi %mul3A_2, %add3A_156 : i32
    %dma_start3A_158 = arith.constant 0 : i32
    %dma_start3A_159 = tpu.memref_slice %arg4[%add3A_157, %dma_start3A_158] : memref<40960x256xf32, #tpu.memory_space<hbm>> -> memref<128x256xf32, #tpu.memory_space<hbm>>
    %dma_start3A_160 = arith.constant 0 : i32
    %dma_start3A_161 = tpu.memref_slice %arg4[%add3A_157, %dma_start3A_160] : memref<40960x256xf32, #tpu.memory_space<hbm>> -> memref<128x256xf32, #tpu.memory_space<hbm>>
    tpu.enqueue_dma source(%arg7 : memref<128x256xf32, #tpu.memory_space<vmem>>) target(%dma_start3A_161 : memref<128x256xf32, #tpu.memory_space<hbm>>) target_semaphore(%arg11 : memref<!tpu.dma_semaphore, #tpu.memory_space<semaphore_mem>>)
    %dma_wait3A_162 = arith.constant 0 : i32
    %dma_wait3A_163 = tpu.memref_slice %arg4[%add3A_157, %dma_wait3A_162] : memref<40960x256xf32, #tpu.memory_space<hbm>> -> memref<128x256xf32, #tpu.memory_space<hbm>>
    %dma_wait3A_164 = arith.constant 0 : i32
    %dma_wait3A_165 = tpu.memref_slice %arg4[%add3A_157, %dma_wait3A_164] : memref<40960x256xf32, #tpu.memory_space<hbm>> -> memref<128x256xf32, #tpu.memory_space<hbm>>
    tpu.wait_dma2 semaphore(%arg11 : memref<!tpu.dma_semaphore, #tpu.memory_space<semaphore_mem>>) src(%arg7 : memref<128x256xf32, #tpu.memory_space<vmem>>) dst(%dma_wait3A_165 : memref<128x256xf32, #tpu.memory_space<hbm>>)
    %dma_start3A_166 = arith.constant 1152 : i32
    %dma_start3A_167 = tpu.memref_slice %arg5[%dma_start3A_166] : memref<1280xi32, #tpu.memory_space<vmem>> -> memref<128xi32, #tpu.memory_space<vmem>>
    %dma_start3A_168 = arith.constant 0 : i32
    %dma_start3A_169 = arith.constant 0 : i32
    %dma_start3A_170 = tpu.memref_slice %arg2[%dma_start3A_168, %dma_start3A_169] : memref<128x256xf32, #tpu.memory_space<hbm>> -> memref<128x256xf32, #tpu.memory_space<hbm>>
    tpu.enqueue_indirect_dma source(%dma_start3A_170 : memref<128x256xf32, #tpu.memory_space<hbm>>) target(%arg7 : memref<128x256xf32, #tpu.memory_space<vmem>>) offsets(%dma_start3A_167 : memref<128xi32, #tpu.memory_space<vmem>>) semaphore(%arg9 : memref<!tpu.dma_semaphore, #tpu.memory_space<semaphore_mem>>)
    %dma_wait3A_171 = arith.constant 1024 : i32
    %dma_wait3A_172 = tpu.memref_slice %arg5[%dma_wait3A_171] : memref<1280xi32, #tpu.memory_space<vmem>> -> memref<128xi32, #tpu.memory_space<vmem>>
    %dma_wait3A_173 = arith.constant 0 : i32
    %dma_wait3A_174 = arith.constant 0 : i32
    %dma_wait3A_175 = tpu.memref_slice %arg2[%dma_wait3A_173, %dma_wait3A_174] : memref<128x256xf32, #tpu.memory_space<hbm>> -> memref<128x256xf32, #tpu.memory_space<hbm>>
    tpu.wait_indirect_dma semaphore(%arg8 : memref<!tpu.dma_semaphore, #tpu.memory_space<semaphore_mem>>) src(%dma_wait3A_175 : memref<128x256xf32, #tpu.memory_space<hbm>>) dst(%arg6 : memref<128x256xf32, #tpu.memory_space<vmem>>)
    %add3A_176 = arith.constant 1024 : i32
    %add3A_177 = arith.addi %mul3A_2, %add3A_176 : i32
    %dma_start3A_178 = arith.constant 0 : i32
    %dma_start3A_179 = tpu.memref_slice %arg4[%add3A_177, %dma_start3A_178] : memref<40960x256xf32, #tpu.memory_space<hbm>> -> memref<128x256xf32, #tpu.memory_space<hbm>>
    %dma_start3A_180 = arith.constant 0 : i32
    %dma_start3A_181 = tpu.memref_slice %arg4[%add3A_177, %dma_start3A_180] : memref<40960x256xf32, #tpu.memory_space<hbm>> -> memref<128x256xf32, #tpu.memory_space<hbm>>
    tpu.enqueue_dma source(%arg6 : memref<128x256xf32, #tpu.memory_space<vmem>>) target(%dma_start3A_181 : memref<128x256xf32, #tpu.memory_space<hbm>>) target_semaphore(%arg10 : memref<!tpu.dma_semaphore, #tpu.memory_space<semaphore_mem>>)
    %dma_wait3A_182 = arith.constant 1152 : i32
    %dma_wait3A_183 = tpu.memref_slice %arg5[%dma_wait3A_182] : memref<1280xi32, #tpu.memory_space<vmem>> -> memref<128xi32, #tpu.memory_space<vmem>>
    %dma_wait3A_184 = arith.constant 0 : i32
    %dma_wait3A_185 = arith.constant 0 : i32
    %dma_wait3A_186 = tpu.memref_slice %arg2[%dma_wait3A_184, %dma_wait3A_185] : memref<128x256xf32, #tpu.memory_space<hbm>> -> memref<128x256xf32, #tpu.memory_space<hbm>>
    tpu.wait_indirect_dma semaphore(%arg9 : memref<!tpu.dma_semaphore, #tpu.memory_space<semaphore_mem>>) src(%dma_wait3A_186 : memref<128x256xf32, #tpu.memory_space<hbm>>) dst(%arg7 : memref<128x256xf32, #tpu.memory_space<vmem>>)
    %add3A_187 = arith.constant 1152 : i32
    %add3A_188 = arith.addi %mul3A_2, %add3A_187 : i32
    %dma_start3A_189 = arith.constant 0 : i32
    %dma_start3A_190 = tpu.memref_slice %arg4[%add3A_188, %dma_start3A_189] : memref<40960x256xf32, #tpu.memory_space<hbm>> -> memref<128x256xf32, #tpu.memory_space<hbm>>
    %dma_start3A_191 = arith.constant 0 : i32
    %dma_start3A_192 = tpu.memref_slice %arg4[%add3A_188, %dma_start3A_191] : memref<40960x256xf32, #tpu.memory_space<hbm>> -> memref<128x256xf32, #tpu.memory_space<hbm>>
    tpu.enqueue_dma source(%arg7 : memref<128x256xf32, #tpu.memory_space<vmem>>) target(%dma_start3A_192 : memref<128x256xf32, #tpu.memory_space<hbm>>) target_semaphore(%arg11 : memref<!tpu.dma_semaphore, #tpu.memory_space<semaphore_mem>>)
    %dma_wait3A_193 = arith.constant 0 : i32
    %dma_wait3A_194 = tpu.memref_slice %arg4[%add3A_177, %dma_wait3A_193] : memref<40960x256xf32, #tpu.memory_space<hbm>> -> memref<128x256xf32, #tpu.memory_space<hbm>>
    %dma_wait3A_195 = arith.constant 0 : i32
    %dma_wait3A_196 = tpu.memref_slice %arg4[%add3A_177, %dma_wait3A_195] : memref<40960x256xf32, #tpu.memory_space<hbm>> -> memref<128x256xf32, #tpu.memory_space<hbm>>
    tpu.wait_dma2 semaphore(%arg10 : memref<!tpu.dma_semaphore, #tpu.memory_space<semaphore_mem>>) src(%arg6 : memref<128x256xf32, #tpu.memory_space<vmem>>) dst(%dma_wait3A_196 : memref<128x256xf32, #tpu.memory_space<hbm>>)
    %dma_wait3A_197 = arith.constant 0 : i32
    %dma_wait3A_198 = tpu.memref_slice %arg4[%add3A_188, %dma_wait3A_197] : memref<40960x256xf32, #tpu.memory_space<hbm>> -> memref<128x256xf32, #tpu.memory_space<hbm>>
    %dma_wait3A_199 = arith.constant 0 : i32
    %dma_wait3A_200 = tpu.memref_slice %arg4[%add3A_188, %dma_wait3A_199] : memref<40960x256xf32, #tpu.memory_space<hbm>> -> memref<128x256xf32, #tpu.memory_space<hbm>>
    tpu.wait_dma2 semaphore(%arg11 : memref<!tpu.dma_semaphore, #tpu.memory_space<semaphore_mem>>) src(%arg7 : memref<128x256xf32, #tpu.memory_space<vmem>>) dst(%dma_wait3A_200 : memref<128x256xf32, #tpu.memory_space<hbm>>)
    return
  }
}

module attributes {stable_mosaic.version = 14 : i64} {
  func.func @_tc_body(%arg0: i32, %arg1: memref<4920x9xf32, #tpu.memory_space<vmem>>, %arg2: memref<128x128xf32, #tpu.memory_space<vmem>>, %arg3: memref<128x256xf32, #tpu.memory_space<vmem>>, %arg4: memref<8x256xf32, #tpu.memory_space<vmem>>, %arg5: memref<1x256xf32, #tpu.memory_space<vmem>>, %arg6: memref<4920x256xf32, #tpu.memory_space<vmem>>, %arg7: memref<128x256xf32, #tpu.memory_space<vmem>>) attributes {dimension_semantics = [#tpu.dimension_semantics<arbitrary>], iteration_bounds = array<i64: 12>, scalar_prefetch = 0 : i64, scratch_operands = 1 : i64, tpu.core_type = #tpu.core_type<tc>, window_params = [{transform_indices = @transform_0, window_bounds = array<i64: 4920, 9>}, {pipeline_mode = #tpu.pipeline_mode<synchronous>, transform_indices = @transform_1, window_bounds = array<i64: 128, 128>}, {pipeline_mode = #tpu.pipeline_mode<synchronous>, transform_indices = @transform_2, window_bounds = array<i64: 128, 256>}, {pipeline_mode = #tpu.pipeline_mode<synchronous>, transform_indices = @transform_3, window_bounds = array<i64: 8, 256>}, {pipeline_mode = #tpu.pipeline_mode<synchronous>, transform_indices = @transform_4, window_bounds = array<i64: 1, 256>}, {transform_indices = @transform_5, window_bounds = array<i64: 4920, 256>}]} {
    %eq3A = arith.constant 0 : i32
    %eq3A_0 = arith.cmpi eq, %arg0, %eq3A : i32
    %convert_element_type3A = arith.extui %eq3A_0 : i1 to i32
    %cond3A = arith.constant 0 : i32
    %cond3A_1 = arith.cmpi ne, %convert_element_type3A, %cond3A : i32
    scf.if %cond3A_1 {
      %get3A_22 = arith.constant 0 : index
      %get3A_23 = arith.constant 0 : index
      %get3A_24 = vector.load %arg2[%get3A_22, %get3A_23] : memref<128x128xf32, #tpu.memory_space<vmem>>, vector<128x128xf32>
      %get3A_25 = arith.constant 0 : index
      %get3A_26 = arith.constant 0 : index
      %get3A_27 = vector.load %arg3[%get3A_25, %get3A_26] : memref<128x256xf32, #tpu.memory_space<vmem>>, vector<128x256xf32>
      %dot_general3A_28 = arith.constant dense<0.000000e+00> : vector<128x256xf32>
      %dot_general3A_29 = tpu.matmul %get3A_24, %get3A_27, %dot_general3A_28 {dimension_numbers = #tpu.dot_dimension_numbers<[1], [0], [0], [1], [0, 0, 1, 1], [], []>, transpose_lhs_hint = false} : vector<128x128xf32>, vector<128x256xf32>, vector<128x256xf32> -> vector<128x256xf32>
      %iota3A_30 = tpu.iota {dimensions = array<i32: 0>} : vector<128x256xi32>
      %le3A = arith.constant 100 : i32
      %le3A_31 = vector.broadcast %le3A : i32 to vector<128x256xi32>
      %le3A_32 = arith.cmpi sle, %iota3A_30, %le3A_31 : vector<128x256xi32>
      %get3A_33 = arith.constant 0 : index
      %get3A_34 = arith.constant 0 : index
      %get3A_35 = vector.load %arg5[%get3A_33, %get3A_34] : memref<1x256xf32, #tpu.memory_space<vmem>>, vector<1x256xf32>
      %jit3A_36 = arith.constant 0.000000e+00 : f32
      %broadcast_in_dim3A_37 = vector.shape_cast %get3A_35 : vector<1x256xf32> to vector<1x256xf32>
      %broadcast_in_dim3A_38 = vector.broadcast %broadcast_in_dim3A_37 : vector<1x256xf32> to vector<128x256xf32>
      %broadcast_in_dim3A_39 = vector.broadcast %jit3A_36 : f32 to vector<128x256xf32>
      %select_n3A_40 = arith.select %le3A_32, %broadcast_in_dim3A_38, %broadcast_in_dim3A_39 : vector<128x256xi1>, vector<128x256xf32>
      %add3A_41 = arith.addf %dot_general3A_29, %select_n3A_40 : vector<128x256xf32>
      %swap3A_42 = arith.constant 0 : index
      %swap3A_43 = arith.constant 0 : index
      %swap3A_44 = vector.load %arg7[%swap3A_42, %swap3A_43] : memref<128x256xf32, #tpu.memory_space<vmem>>, vector<128x256xf32>
      tpu.vector_store %arg7[%swap3A_42, %swap3A_43], %add3A_41 {strides = array<i32>} : memref<128x256xf32, #tpu.memory_space<vmem>>, vector<128x256xf32>,
      %get3A_45 = arith.constant 0 : index
      %get3A_46 = arith.constant 0 : index
      %get3A_47 = vector.load %arg4[%get3A_45, %get3A_46] : memref<8x256xf32, #tpu.memory_space<vmem>>, vector<8x256xf32>
      %swap3A_48 = arith.constant 120 : index
      %swap3A_49 = arith.constant 0 : index
      %swap3A_50 = vector.load %arg7[%swap3A_48, %swap3A_49] : memref<128x256xf32, #tpu.memory_space<vmem>>, vector<8x256xf32>
      tpu.vector_store %arg7[%swap3A_48, %swap3A_49], %get3A_47 {strides = array<i32>} : memref<128x256xf32, #tpu.memory_space<vmem>>, vector<8x256xf32>,
    } else {
    }
    %get3A = arith.constant 0 : index
    %get3A_2 = arith.constant 0 : index
    %get3A_3 = vector.load %arg1[%get3A, %get3A_2] : memref<4920x9xf32, #tpu.memory_space<vmem>>, vector<4920x9xf32>
    %iota3A = tpu.iota {dimensions = array<i32: 1>} : vector<1x128xi32>
    %convert_element_type3A_4 = arith.sitofp %iota3A : vector<1x128xi32> to vector<1x128xbf16>
    %slice3A = vector.extract_strided_slice %get3A_3 {offsets = [0, 0], sizes = [4920, 1], strides = [1, 1]} : vector<4920x9xf32> to vector<4920x1xf32>
    %convert_element_type3A_5 = arith.truncf %slice3A : vector<4920x1xf32> to vector<4920x1xbf16>
    %eq3A_6 = vector.broadcast %convert_element_type3A_4 : vector<1x128xbf16> to vector<4920x128xbf16>
    %eq3A_7 = vector.broadcast %convert_element_type3A_5 : vector<4920x1xbf16> to vector<4920x128xbf16>
    %eq3A_8 = arith.cmpf oeq, %eq3A_6, %eq3A_7 : vector<4920x128xbf16>
    %jit3A = arith.constant 1.000000e+00 : bf16
    %jit3A_9 = arith.constant 0.000000e+00 : bf16
    %broadcast_in_dim3A = vector.broadcast %jit3A : bf16 to vector<4920x128xbf16>
    %broadcast_in_dim3A_10 = vector.broadcast %jit3A_9 : bf16 to vector<4920x128xbf16>
    %select_n3A = arith.select %eq3A_8, %broadcast_in_dim3A, %broadcast_in_dim3A_10 : vector<4920x128xi1>, vector<4920x128xbf16>
    %slice3A_11 = vector.extract_strided_slice %get3A_3 {offsets = [0, 1], sizes = [4920, 8], strides = [1, 1]} : vector<4920x9xf32> to vector<4920x8xf32>
    %convert_element_type3A_12 = arith.truncf %slice3A_11 : vector<4920x8xf32> to vector<4920x8xbf16>
    %broadcast_in_dim3A_13 = arith.constant 0.000000e+00 : bf16
    %broadcast_in_dim3A_14 = vector.broadcast %broadcast_in_dim3A_13 : bf16 to vector<4920x120xbf16>
    %concatenate3A = tpu.concatenate %broadcast_in_dim3A_14, %convert_element_type3A_12 in 1 : vector<4920x120xbf16>, vector<4920x8xbf16> -> vector<4920x128xbf16>
    %add3A = arith.addf %select_n3A, %concatenate3A : vector<4920x128xbf16>
    %get3A_15 = arith.constant 0 : index
    %get3A_16 = arith.constant 0 : index
    %get3A_17 = vector.load %arg7[%get3A_15, %get3A_16] : memref<128x256xf32, #tpu.memory_space<vmem>>, vector<128x256xf32>
    %convert_element_type3A_18 = arith.truncf %get3A_17 : vector<128x256xf32> to vector<128x256xbf16>
    %dot_general3A = arith.constant dense<0.000000e+00> : vector<4920x256xf32>
    %dot_general3A_19 = tpu.matmul %add3A, %convert_element_type3A_18, %dot_general3A {dimension_numbers = #tpu.dot_dimension_numbers<[1], [0], [0], [1], [0, 0, 1, 1], [], []>, transpose_lhs_hint = false} : vector<4920x128xbf16>, vector<128x256xbf16>, vector<4920x256xf32> -> vector<4920x256xf32>
    %swap3A = arith.constant 0 : index
    %swap3A_20 = arith.constant 0 : index
    %swap3A_21 = vector.load %arg6[%swap3A, %swap3A_20] : memref<4920x256xf32, #tpu.memory_space<vmem>>, vector<4920x256xf32>
    tpu.vector_store %arg6[%swap3A, %swap3A_20], %dot_general3A_19 {strides = array<i32>} : memref<4920x256xf32, #tpu.memory_space<vmem>>, vector<4920x256xf32>,
    return
  }
  func.func @transform_0(%arg0: i32) -> (i32, i32) {
    %c0_i32 = arith.constant 0 : i32
    %c0_i32_0 = arith.constant 0 : i32
    return %arg0, %c0_i32 : i32, i32
  }
  func.func @transform_1(%arg0: i32) -> (i32, i32) {
    %c0_i32 = arith.constant 0 : i32
    %c0_i32_0 = arith.constant 0 : i32
    %c0_i32_1 = arith.constant 0 : i32
    return %c0_i32, %c0_i32_0 : i32, i32
  }
  func.func @transform_2(%arg0: i32) -> (i32, i32) {
    %c0_i32 = arith.constant 0 : i32
    %c0_i32_0 = arith.constant 0 : i32
    %c0_i32_1 = arith.constant 0 : i32
    return %c0_i32, %c0_i32_0 : i32, i32
  }
  func.func @transform_3(%arg0: i32) -> (i32, i32) {
    %c0_i32 = arith.constant 0 : i32
    %c0_i32_0 = arith.constant 0 : i32
    %c0_i32_1 = arith.constant 0 : i32
    return %c0_i32, %c0_i32_0 : i32, i32
  }
  func.func @transform_4(%arg0: i32) -> (i32, i32) {
    %c0_i32 = arith.constant 0 : i32
    %c0_i32_0 = arith.constant 0 : i32
    %c0_i32_1 = arith.constant 0 : i32
    return %c0_i32, %c0_i32_0 : i32, i32
  }
  func.func @transform_5(%arg0: i32) -> (i32, i32) {
    %c0_i32 = arith.constant 0 : i32
    %c0_i32_0 = arith.constant 0 : i32
    return %arg0, %c0_i32 : i32, i32
  }
}

</mosaic_0001>

<sc_bundles>
// kernel: kernel.4.cloned.1.call-start
scs
__scs_entry_jumppad:
0x0: {  	(pc) =	sbr.rel $0x88, $3  }
0x1: {  	(tag) =	ssettag $0x0;
	lr =	simm.s32 $0x1  }
0x2: {  	[smem:$0x3F9D] =	sst lr;
	_ =	strace $0xD0000000  }
0x3: {  	_ = 	snop  }
0x4: {  	_ = 	snop  }
0x5: {  	_ = 	snop  }
0x6: {  	_ = 	snop  }
0x7: {  	_ = 	snop  }
__scs_overlays_trampoline_lowered:
0x8: {  	[smem:$0x3FAC] =	sst s0  }
0x9: {  	[smem:$0x3FAD] =	sst s1  }
0xa: {  	[smem:$0x3FAE] =	sst s2  }
0xb: {  	[smem:$0x3FAF] =	sst s3  }
0xc: {  	[smem:$0x3FB0] =	sst s4  }
0xd: {  	[smem:$0x3FB1] =	sst s5  }
0xe: {  	[smem:$0x3FB2] =	sst s6  }
0xf: {  	[smem:$0x3FB3] =	sst s7  }
0x10: {  	[smem:$0x3FB4] =	sst s8  }
0x11: {  	[smem:$0x3FB5] =	sst s9;
	s0 =	simm.s32 @!p0 $0x0  }
0x12: {  	s1 =	sld [smem:$0x3F9B];
	s0 =	simm.s32 @p0 $0x1  }
0x13: {  	[smem:$0x3FB6] =	sst s0;
	s0 =	simm.s32 @!p1 $0x0  }
0x14: {  	s2 =	sld [smem:$0x3F9A];
	s0 =	simm.s32 @p1 $0x1  }
0x15: {  	[smem:$0x3FB7] =	sst s0;
	s0 =	simm.s32 @!p2 $0x0  }
0x16: {  	s3 =	sld [smem:$0x3FDB];
	s0 =	simm.s32 @p2 $0x1  }
0x17: {  	s4 =	simm.s32 $0x1BF5;
	[smem:$0x3FB9] =	sst s0  }
0x18: {  	s0 =	sld [smem:$0x3F9C];
	_ =	swait.ge [sflag:s4], $0x0  }
0x19: {  	s7 =	sld [smem:$0x3F9D]  }
0x1a: {  	s8 =	sadd.s32 $0xFFFFE003, lr  }
0x1b: {  	s9 =	sadd.s32 $0xFFFFFEF7, lr;
	s5 =	simm.s32 $0xFFFFFFFF;
	p2 =	slt.u32 s8, $0xFFFFF086  }
0x1c: {  	p1 =	slt.u32 s9, $0xF7A;
	s5 =	simm.s32 @!p2 $0x0  }
0x1d: {  	s5 =	simm.s32 @p1 $0x1;
	p0 =	seq.s32 s7, s2  }
0x1e: {  	s7 =	smul.u32 @!p0 $0xF7A, s2;
	p2 =	seq.s32 @!p0 s5, $0x0  }
0x1f: {  	s9 =	smul.u32 $0xF7A, s1;
	s8 =	simm.s32 @!p0 $0x1BF5;
	p2 =	por !p2, p0  }
0x20: {  	[sflag:s8] =	ssyncset.s32 @!p0 $0xFFFFF086;
	s6 =	sadd.s32 @!p0 s3, s7;
	s7 =	simm.s32 @!p0 $0x108  }
0x21: {  	s3 =	sadd.s32 s3, s9;
	s6 =	sadd.s32 @!p0 $0x88, s6;
	s7 =	simm.s32 @p2 $0x1082  }
0x22: {  	[simem:s7], [sflag:s8] =	dma.local @!p0 [hbm:s6], $0xF7A  }
0x23: {  	s9 =	sor.u32 $0xD0000000, s2;
	s6 =	simm.s32 $0x108;
	_ =	swait.ge @!p0 [sflag:s8], $0x0  }
0x24: {  	s3 =	sadd.s32 $0x88, s3;
	s6 =	simm.s32 @!p1 $0x1082;
	[sflag:s4] =	ssyncset.s32 $0xFFFFF086  }
0x25: {  	[simem:s6], [sflag:s4] =	dma.local [hbm:s3], $0xF7A  }
0x26: {  	[smem:$0x3F9D] =	sst s1;
	(tag) =	ssettag s2;
	_ =	strace s9  }
0x27: {  	s1 =	sld [smem:$0x3FAD]  }
0x28: {  	s2 =	sld [smem:$0x3FAE]  }
0x29: {  	s4 =	sld [smem:$0x3FB0]  }
0x2a: {  	p0 =	seq.s32 s5, $0x0;
	s5 =	sld [smem:$0x3FB1]  }
0x2b: {  	s6 =	sld [smem:$0x3FB2]  }
0x2c: {  	s7 =	sld [smem:$0x3FB3]  }
0x2d: {  	s3 =	simm.s32 $0x108;
	s8 =	sld [smem:$0x3FB4]  }
0x2e: {  	s3 =	simm.s32 @!p0 $0x1082;
	s9 =	sld [smem:$0x3FB5]  }
0x2f: {  	lr =	sadd.s32 s0, s3;
	s0 =	sld [smem:$0x3FAC]  }
0x30: {  	s3 =	sld [smem:$0x3FAF]  }
0x31: {  	[smem:$0x3FB8] =	sst s10  }
0x32: {  	s10 =	sld [smem:$0x3FB6];
	_ =	sdelay $0x3  }
0x33: {  	p0 =	seq.s32 s10, $0x1;
	s10 =	sld [smem:$0x3FB8];
	_ =	sdelay $0x3  }
0x34: {  	[smem:$0x3FB8] =	sst s10  }
0x35: {  	s10 =	sld [smem:$0x3FB7];
	_ =	sdelay $0x3  }
0x36: {  	p1 =	seq.s32 s10, $0x1;
	s10 =	sld [smem:$0x3FB8];
	_ =	sdelay $0x3  }
0x37: {  	[smem:$0x3FB8] =	sst s10  }
0x38: {  	s10 =	sld [smem:$0x3FB9]  }
0x39: {  	_ = 	snop;
	(pc) =	sbr.ind lr, $3  }
0x3a: {  	_ = 	snop  }
0x3b: {  	_ = 	snop  }
0x3c: {  	p2 =	seq.s32 s10, $0x1;
	s10 =	sld [smem:$0x3FB8]  }
0x3d: {  	_ =	shalt  }
0x3e: {  	_ =	shalt  }
0x3f: {  	_ =	shalt  }
0x40: {  	_ =	shalt  }
0x41: {  	_ =	shalt  }
0x42: {  	_ =	shalt  }
0x43: {  	_ =	shalt  }
0x44: {  	_ =	shalt  }
0x45: {  	_ =	shalt  }
0x46: {  	_ =	shalt  }
0x47: {  	_ =	shalt  }
0x48: {  	_ =	shalt  }
0x49: {  	_ =	shalt  }
0x4a: {  	_ =	shalt  }
0x4b: {  	_ =	shalt  }
0x4c: {  	_ =	shalt  }
0x4d: {  	_ =	shalt  }
0x4e: {  	_ =	shalt  }
0x4f: {  	_ =	shalt  }
0x50: {  	_ =	shalt  }
0x51: {  	_ =	shalt  }
0x52: {  	_ =	shalt  }
0x53: {  	_ =	shalt  }
0x54: {  	_ =	shalt  }
0x55: {  	_ =	shalt  }
0x56: {  	_ =	shalt  }
0x57: {  	_ =	shalt  }
0x58: {  	_ =	shalt  }
0x59: {  	_ =	shalt  }
0x5a: {  	_ =	shalt  }
0x5b: {  	_ =	shalt  }
0x5c: {  	_ =	shalt  }
0x5d: {  	_ =	shalt  }
0x5e: {  	_ =	shalt  }
0x5f: {  	_ =	shalt  }
0x60: {  	_ =	shalt  }
0x61: {  	_ =	shalt  }
0x62: {  	_ =	shalt  }
0x63: {  	_ =	shalt  }
0x64: {  	_ =	shalt  }
0x65: {  	_ =	shalt  }
0x66: {  	_ =	shalt  }
0x67: {  	_ =	shalt  }
0x68: {  	_ =	shalt  }
0x69: {  	_ =	shalt  }
0x6a: {  	_ =	shalt  }
0x6b: {  	_ =	shalt  }
0x6c: {  	_ =	shalt  }
0x6d: {  	_ =	shalt  }
0x6e: {  	_ =	shalt  }
0x6f: {  	_ =	shalt  }
0x70: {  	_ =	shalt  }
0x71: {  	_ =	shalt  }
0x72: {  	_ =	shalt  }
0x73: {  	_ =	shalt  }
0x74: {  	_ =	shalt  }
0x75: {  	_ =	shalt  }
0x76: {  	_ =	shalt  }
0x77: {  	_ =	shalt  }
0x78: {  	_ =	shalt  }
0x79: {  	_ =	shalt  }
0x7a: {  	_ =	shalt  }
0x7b: {  	_ =	shalt  }
0x7c: {  	_ =	shalt  }
0x7d: {  	_ =	shalt  }
0x7e: {  	_ =	shalt  }
0x7f: {  	_ =	shalt  }
0x80: {  	_ =	shalt  }
0x81: {  	_ =	shalt  }
0x82: {  	_ =	shalt  }
0x83: {  	_ =	shalt  }
0x84: {  	_ =	shalt  }
0x85: {  	_ =	shalt  }
0x86: {  	_ =	shalt  }
0x87: {  	_ =	shalt  }
.Lfunc_end0:
.L_simem_size_0:
called_computation_lowered:
.L_overlay_start_0:
0x88: {  	s2 =	sld [smem:$0x3FD9]  }
0x89: {  	s3 =	sld [smem:$0x3FFE];
	_ =	sdelay $0x1  }
0x8a: {  	s1 =	srdreg.scid  }
0x8b: {  	s0 =	sand.u32 $0x1, s1  }
0x8c: {  	s14 =	sshll.u32 s0, $0xA;
	s2 =	sadd.s32 s3, s2  }
0x8d: {  	s2 =	sadd.s32 s2, s14  }
0x8e: {  	[smem:$0x3FC4] =	sst s2  }
0x8f: {  	_ = 	snop  }
0x90: {  	s2 =	sld [smem:$0x3FD0];
	_ =	sdelay $0x2  }
0x91: {  	s15 =	simm.s32 $0xA;
	s4 =	simm.s32 $0x10  }
0x92: {  	[smem:s4], [sflag:s15] =	dma.local [hbm:s2], $0x1  }
0x93: {  	_ =	swait.eq [sflag:s15], $0x1  }
0x94: {  	[sflag:s15] =	ssyncset.done $0x0  }
0x95: {  	[sflag:s15] =	ssyncadd.s32 $0xFFFFFFFF  }
0x96: {  	s16 =	sld [smem:$0x11];
	(tm) =	ssettm $0x1  }
0x97: {  	s17 =	sld [smem:$0x3FFB];
	_ =	sdelay $0x3  }
0x98: {  	_ =	strace s17  }
0x99: {  	s3 =	sld [smem:$0x3FFC];
	_ =	sdelay $0x3  }
0x9a: {  	_ =	strace s3  }
0x9b: {  	s3 =	sld [smem:$0x3FFD];
	_ =	sdelay $0x3  }
0x9c: {  	_ =	strace s3  }
0x9d: {  	_ =	strace $0x8FFFFFFF  }
0x9e: {  	s18 =	sld [smem:$0x3FDB];
	_ =	sdelay $0x1  }
0x9f: {  	s19 =	simm.s32 $_scs_section_size  }
0xa0: {  	s5 =	simm.s32 $_size__tile_overlayer_lowered;
	s6 =	simm.s32 $_tile_overlayer_lowered  }
0xa1: {  	s22 =	simm.s32 $0x1BFF;
	s21 =	sshll.u32 s6, $0x1;
	s3 =	sadd.s32 s19, s18  }
0xa2: {  	s7 =	simm.s32 $0x0;
	s20 =	sshll.u32 s5, $0x1;
	s5 =	sadd.s32 s21, s3  }
0xa3: {  	[timem:s7], [sflag:s22] =	dma.local [hbm:s5], s20  }
0xa4: {  	_ =	swait.ge [sflag:s22], s20  }
0xa5: {  	s4 =	ssub.s32 $0x0, s20;
	[sflag:s22] =	ssyncset.done $0x0  }
0xa6: {  	[sflag:s22] =	ssyncadd.s32 s4;
	_ =	sdelay $0x1  }
0xa7: {  	s23 =	simm.s32 $0x1B8B  }
0xa8: {  	_ =	swait.ge [sflag:s23], $0x1  }
0xa9: {  	[sflag:s23] =	ssyncset.done $0x0  }
0xaa: {  	s25 =	simm.s32 $0x1B8E;
	s24 =	sld [smem:$0x3FFE];
	[sflag:s23] =	ssyncadd.s32 $0xFFFFFFFF  }
0xab: {  	s26 =	simm.s32 $execute0_lowered;
	[smem:$0x3FD2] =	sst s25  }
0xac: {  	s5 =	sshll.u32 s26, $0x1;
	_ =	strace $0x80000046;
	[dreg:$0x1] =	wrdreg $0xFFFFFFFF  }
0xad: {  	s28 =	simm.s32 $_size_execute0_lowered;
	s3 =	sadd.s32 s3, s5;
	[dreg:$0x0] =	wrdreg $0x0  }
0xae: {  	s5 =	sshll.u32 s28, $0x1;
	[dreg:$0x2] =	wrdreg s3  }
0xaf: {  	[dreg:$0x3] =	wrdreg s5  }
0xb0: {  	[dreg:$0x4] =	wrdreg $0xC0  }
0xb1: {  	_ =	task [dreg:s7], $0x5FFFF  }
0xb2: {  	[dreg:$0x1] =	wrdreg $0xFFFFFFFF  }
0xb3: {  	[dreg:$0x0] =	wrdreg $0x60  }
0xb4: {  	[dreg:$0x2] =	wrdreg s24  }
0xb5: {  	[dreg:$0x3] =	wrdreg s16  }
0xb6: {  	[dreg:$0x4] =	wrdreg $0x9  }
0xb7: {  	_ =	task.clear_ibuf [dreg:s7], $0x5FFFF;
	_ =	strace $0x90000046  }
0xb8: {  	s29 =	simm.s32 $0x9;
	_ =	strace $0x80000048  }
0xb9: {  	_ =	swait.ge [sflag:s29], $0x1  }
0xba: {  	[sflag:s29] =	ssyncadd.s32 $0xFFFFFFFF  }
0xbb: {  	_ =	strace $0x90000048  }
0xbc: {  	_ =	sfence  }
0xbd: {  	s30 =	sld [smem:$0x0];
	_ =	sdelay $0x2  }
0xbe: {  	s31 =	sshll.u32 s1, $0xD;
	s1 =	sshrl.u32 s1, $0x2  }
0xbf: {  	s3 =	sand.u32 $0x4000, s31;
	s1 =	sadd.s32 s1, s30  }
0xc0: {  	s0 =	sor.u32 s3, s0;
	s1 =	sshll.u32 s1, $0x11  }
0xc1: {  	s0 =	sor.u32 s1, s0  }
0xc2: {  	s0 =	sadd.s32 $0x8F2B, s0  }
0xc3: {  	[sflag:s0] =	ssyncadd.remote.s32 $0x1  }
0xc4: {  	_ =	sfence.sel $0xFFFF  }
0xc5: {  	[dreg:$0x0] =	wrdreg $0xFFFFFFFF;
	(pc) =	sbr.abs _section_cstart, $3  }
0xc6: {  	[dreg:$0x1] =	wrdreg $0xFFFFFFFF  }
0xc7: {  	_ =	task.clear_ibuf [dreg:s7], $0x2FFFF;
	_ =	strace $0x9FFFFFFF  }
0xc8: {  	(tm) =	ssettm $0x7FFFFFFF  }
0xc9: {  	_ =	shalt  }
tec
execute0_lowered:
.L_overlay_start_1:
0x0: {  	(tag) =	ssettag $0x1  }
0x1: {  	s0 =	srdreg.scid;
	s1 =	stileid.u32  }
0x2: {  	s0 =	sand.u32 $0x1, s0;
	s1 =	sshll.u32 s1, $0x1  }
0x3: {  	s1 =	sor.u32 s0, s1  }
0x4: {  	s3 =	rddreg [dreg:$0x0];
	s5 =	smul.u32 $0xA0, s1  }
0x5: {  	s4 =	rddreg [dreg:$0x1];
	s2 =	simm.s32 $0x0;
	s6 =	smul.u32 $0xA000, s1  }
0x6: {  	s18 =	simm.s32 $0x500;
	[smem:$0x7FF] =	sst s2;
	s1 =	smul.u32 $0x50000, s1  }
0x7: {  	_ =	strace $0x80000047;
	s5 =	sadd.s32 s5, s3;
	s6 =	sadd.s32 s4, s6  }
0x8: {  	s1 =	sshrl.u32 s1, $0x3;
	s5 =	sadd.s32 $0xE00, s5;
	[dreg:$0xd] =	wrdreg s6  }
0x9: {  	s23 =	sadd.s32 $0x1000, s6;
	s1 =	sadd.s32 s4, s1;
	[dreg:$0x3] =	wrdreg s5  }
0xa: {  	s12 =	simm.s32 $0x1;
	[dreg:$0x4] =	wrdreg s23;
	s4 =	sadd.s32 $0x2000, s1  }
0xb: {  	s13 =	simm.s32 $0x3;
	s24 =	sadd.s32 $0x3000, s1;
	[dreg:$0x5] =	wrdreg s4  }
0xc: {  	s14 =	simm.s32 $0x2;
	s25 =	sadd.s32 $0x4000, s1;
	[dreg:$0x6] =	wrdreg s24  }
0xd: {  	s15 =	simm.s32 $0x4;
	s26 =	sadd.s32 $0x5000, s1;
	[dreg:$0x7] =	wrdreg s25  }
0xe: {  	s0 =	ssub.s32 $0x2, s0;
	s28 =	sadd.s32 $0x6000, s1;
	[dreg:$0x8] =	wrdreg s26  }
0xf: {  	s30 =	sshrl.u32 s0, $0x1;
	s29 =	sadd.s32 $0x7000, s1;
	[dreg:$0x9] =	wrdreg s28  }
0x10: {  	v2 =	vlaneseq.u32;
	s0 =	ssub.s32 s0, s30;
	s31 =	sadd.s32 $0x8000, s1;
	[dreg:$0xa] =	wrdreg s29  }
0x11: {  	vm0 =	vmmov $0xffff;
	v1 =	vshrl.u32 v2, $0x3;
	s1 =	sadd.s32 $0x9000, s1;
	s5 =	smax.u32 s0, $0x1;
	[dreg:$0xb] =	wrdreg s31  }
0x12: {  	v0 =	vand.u32 $0x7, v2;
	v2 =	vor.u32 $0x8, v2;
	v1 =	vmul.u32 $0x8, v1;
	s23 =	simm.s32 $0x8500;
	s4 =	sadd.s32 $0x2200, s3;
	[dreg:$0xc] =	wrdreg s1  }
.LBB2_1:
0x13: {  	s16 =	rddreg [dreg:$0x3];
	s28 =	simm.s32 $0x5  }
0x14: {  	[tilespmem:s2], [sflag:$0x5] =	stream.linear.gather [hbm4b:s16+s2], $0x500, $0x38;
	[tilespmem:$0x10500] =	vst v63  }
0x15: {  	_ =	swait.ge [sflag:s28], $0x500  }
0x16: {  	[sflag:s28] =	ssyncset.done $0x0  }
0x17: {  	[sflag:s28] =	ssyncadd.s32 $0xFFFFFB00  }
0x18: {  	v3 =	vld [tilespmem:$0x0];
	_ =	sdelay $0x4  }
0x19: {  	v4 =	vshll.u32 v3, $0x1  }
0x1a: {  	v3 =	vand.u32 $0x7, v3;
	v4 =	vand.u32 $0xFFFFFFF0, v4  }
0x1b: {  	v3 =	vor.u32 v3, v4  }
0x1c: {  	v4 =	vperm.xlane v3, v0;
	_ =	sdelay $0x1  }
0x1d: {  	v3 =	vperm.xlane v3, v2;
	v4 =	vadd.s32 v1, v4;
	_ =	sdelay $0x1  }
0x1e: {  	v3 =	vadd.s32 v1, v3;
	_ =	sdelay $0x2  }
0x1f: {  	[tilespmem:s18], [sflag:$0x1] =	stream.indirect_vreg.gather [hbm4b:s4+s2], $0x80, v4, vm0, $0xb8;
	[tilespmem:$0x10500] =	vst v63  }
0x20: {  	s0 =	simm.s32 $0xD00  }
0x21: {  	[tilespmem:s0], [sflag:$0x1] =	stream.indirect_vreg.gather [hbm4b:s4+s2], $0x80, v3, vm0, $0xb8;
	[tilespmem:$0x10500] =	vst v63  }
0x22: {  	v3 =	vld [tilespmem:$0x10];
	_ =	sdelay $0x4  }
0x23: {  	v41 =	vshll.u32 v3, $0x1  }
0x24: {  	v3 =	vand.u32 $0x7, v3;
	v4 =	vand.u32 $0xFFFFFFF0, v41  }
0x25: {  	v3 =	vor.u32 v3, v4  }
0x26: {  	v4 =	vperm.xlane v3, v0;
	_ =	sdelay $0x1  }
0x27: {  	v3 =	vperm.xlane v3, v2;
	v4 =	vadd.s32 v1, v4;
	_ =	sdelay $0x1  }
0x28: {  	v3 =	vadd.s32 v1, v3;
	_ =	sdelay $0x1  }
0x29: {  	s29 =	simm.s32 $0x1500  }
0x2a: {  	[tilespmem:s29], [sflag:$0x1] =	stream.indirect_vreg.gather [hbm4b:s4+s2], $0x80, v4, vm0, $0xb8;
	[tilespmem:$0x10500] =	vst v63  }
0x2b: {  	s30 =	simm.s32 $0x1D00  }
0x2c: {  	[tilespmem:s30], [sflag:$0x1] =	stream.indirect_vreg.gather [hbm4b:s4+s2], $0x80, v3, vm0, $0xb8;
	[tilespmem:$0x10500] =	vst v63  }
0x2d: {  	v3 =	vld [tilespmem:$0x20];
	_ =	sdelay $0x4  }
0x2e: {  	v42 =	vshll.u32 v3, $0x1  }
0x2f: {  	v3 =	vand.u32 $0x7, v3;
	v4 =	vand.u32 $0xFFFFFFF0, v42  }
0x30: {  	v3 =	vor.u32 v3, v4  }
0x31: {  	v4 =	vperm.xlane v3, v0;
	_ =	sdelay $0x1  }
0x32: {  	v3 =	vperm.xlane v3, v2;
	v4 =	vadd.s32 v1, v4;
	_ =	sdelay $0x1  }
0x33: {  	v3 =	vadd.s32 v1, v3;
	_ =	sdelay $0x1  }
0x34: {  	s31 =	simm.s32 $0x2500  }
0x35: {  	[tilespmem:s31], [sflag:$0x1] =	stream.indirect_vreg.gather [hbm4b:s4+s2], $0x80, v4, vm0, $0xb8;
	[tilespmem:$0x10500] =	vst v63  }
0x36: {  	s1 =	simm.s32 $0x2D00  }
0x37: {  	[tilespmem:s1], [sflag:$0x1] =	stream.indirect_vreg.gather [hbm4b:s4+s2], $0x80, v3, vm0, $0xb8;
	[tilespmem:$0x10500] =	vst v63  }
0x38: {  	v3 =	vld [tilespmem:$0x30];
	_ =	sdelay $0x4  }
0x39: {  	v43 =	vshll.u32 v3, $0x1  }
0x3a: {  	v3 =	vand.u32 $0x7, v3;
	v4 =	vand.u32 $0xFFFFFFF0, v43  }
0x3b: {  	v3 =	vor.u32 v3, v4  }
0x3c: {  	v4 =	vperm.xlane v3, v0;
	_ =	sdelay $0x1  }
0x3d: {  	v3 =	vperm.xlane v3, v2;
	v4 =	vadd.s32 v1, v4;
	_ =	sdelay $0x1  }
0x3e: {  	v3 =	vadd.s32 v1, v3;
	_ =	sdelay $0x1  }
0x3f: {  	s6 =	simm.s32 $0x3500  }
0x40: {  	[tilespmem:s6], [sflag:$0x1] =	stream.indirect_vreg.gather [hbm4b:s4+s2], $0x80, v4, vm0, $0xb8;
	[tilespmem:$0x10500] =	vst v63  }
0x41: {  	s8 =	simm.s32 $0x3D00  }
0x42: {  	[tilespmem:s8], [sflag:$0x1] =	stream.indirect_vreg.gather [hbm4b:s4+s2], $0x80, v3, vm0, $0xb8;
	[tilespmem:$0x10500] =	vst v63  }
0x43: {  	v3 =	vld [tilespmem:$0x40];
	_ =	sdelay $0x4  }
0x44: {  	v44 =	vshll.u32 v3, $0x1  }
0x45: {  	v3 =	vand.u32 $0x7, v3;
	v4 =	vand.u32 $0xFFFFFFF0, v44  }
0x46: {  	v3 =	vor.u32 v3, v4  }
0x47: {  	v4 =	vperm.xlane v3, v0;
	_ =	sdelay $0x1  }
0x48: {  	v3 =	vperm.xlane v3, v2;
	v4 =	vadd.s32 v1, v4;
	_ =	sdelay $0x1  }
0x49: {  	v3 =	vadd.s32 v1, v3;
	_ =	sdelay $0x1  }
0x4a: {  	s9 =	simm.s32 $0x4500  }
0x4b: {  	[tilespmem:s9], [sflag:$0x1] =	stream.indirect_vreg.gather [hbm4b:s4+s2], $0x80, v4, vm0, $0xb8;
	[tilespmem:$0x10500] =	vst v63  }
0x4c: {  	s10 =	simm.s32 $0x4D00  }
0x4d: {  	[tilespmem:s10], [sflag:$0x1] =	stream.indirect_vreg.gather [hbm4b:s4+s2], $0x80, v3, vm0, $0xb8;
	[tilespmem:$0x10500] =	vst v63  }
0x4e: {  	v3 =	vld [tilespmem:$0x50];
	_ =	sdelay $0x4  }
0x4f: {  	v45 =	vshll.u32 v3, $0x1  }
0x50: {  	v3 =	vand.u32 $0x7, v3;
	v4 =	vand.u32 $0xFFFFFFF0, v45  }
0x51: {  	v3 =	vor.u32 v3, v4  }
0x52: {  	v4 =	vperm.xlane v3, v0;
	_ =	sdelay $0x1  }
0x53: {  	v3 =	vperm.xlane v3, v2;
	v4 =	vadd.s32 v1, v4;
	_ =	sdelay $0x1  }
0x54: {  	v3 =	vadd.s32 v1, v3;
	_ =	sdelay $0x1  }
0x55: {  	s11 =	simm.s32 $0x5500  }
0x56: {  	[tilespmem:s11], [sflag:$0x1] =	stream.indirect_vreg.gather [hbm4b:s4+s2], $0x80, v4, vm0, $0xb8;
	[tilespmem:$0x10500] =	vst v63  }
0x57: {  	s16 =	simm.s32 $0x5D00  }
0x58: {  	[tilespmem:s16], [sflag:$0x1] =	stream.indirect_vreg.gather [hbm4b:s4+s2], $0x80, v3, vm0, $0xb8;
	[tilespmem:$0x10500] =	vst v63  }
0x59: {  	v3 =	vld [tilespmem:$0x60];
	_ =	sdelay $0x4  }
0x5a: {  	v46 =	vshll.u32 v3, $0x1  }
0x5b: {  	v3 =	vand.u32 $0x7, v3;
	v4 =	vand.u32 $0xFFFFFFF0, v46  }
0x5c: {  	v3 =	vor.u32 v3, v4  }
0x5d: {  	v4 =	vperm.xlane v3, v0;
	_ =	sdelay $0x1  }
0x5e: {  	v3 =	vperm.xlane v3, v2;
	v4 =	vadd.s32 v1, v4;
	_ =	sdelay $0x1  }
0x5f: {  	v3 =	vadd.s32 v1, v3;
	_ =	sdelay $0x1  }
0x60: {  	s17 =	simm.s32 $0x6500  }
0x61: {  	[tilespmem:s17], [sflag:$0x1] =	stream.indirect_vreg.gather [hbm4b:s4+s2], $0x80, v4, vm0, $0xb8;
	[tilespmem:$0x10500] =	vst v63  }
0x62: {  	s19 =	simm.s32 $0x6D00  }
0x63: {  	[tilespmem:s19], [sflag:$0x1] =	stream.indirect_vreg.gather [hbm4b:s4+s2], $0x80, v3, vm0, $0xb8;
	[tilespmem:$0x10500] =	vst v63  }
0x64: {  	v3 =	vld [tilespmem:$0x70];
	_ =	sdelay $0x4  }
0x65: {  	v47 =	vshll.u32 v3, $0x1  }
0x66: {  	v3 =	vand.u32 $0x7, v3;
	v4 =	vand.u32 $0xFFFFFFF0, v47  }
0x67: {  	v3 =	vor.u32 v3, v4  }
0x68: {  	v4 =	vperm.xlane v3, v0;
	_ =	sdelay $0x1  }
0x69: {  	v3 =	vperm.xlane v3, v2;
	v4 =	vadd.s32 v1, v4;
	_ =	sdelay $0x1  }
0x6a: {  	v3 =	vadd.s32 v1, v3;
	_ =	sdelay $0x1  }
0x6b: {  	s20 =	simm.s32 $0x7500  }
0x6c: {  	[tilespmem:s20], [sflag:$0x1] =	stream.indirect_vreg.gather [hbm4b:s4+s2], $0x80, v4, vm0, $0xb8;
	[tilespmem:$0x10500] =	vst v63  }
0x6d: {  	s21 =	simm.s32 $0x7D00  }
0x6e: {  	[tilespmem:s21], [sflag:$0x1] =	stream.indirect_vreg.gather [hbm4b:s4+s2], $0x80, v3, vm0, $0xb8;
	[tilespmem:$0x10500] =	vst v63  }
0x6f: {  	v3 =	vld [tilespmem:$0x80];
	_ =	sdelay $0x4  }
0x70: {  	v48 =	vshll.u32 v3, $0x1  }
0x71: {  	v3 =	vand.u32 $0x7, v3;
	v4 =	vand.u32 $0xFFFFFFF0, v48  }
0x72: {  	v3 =	vor.u32 v3, v4  }
0x73: {  	v4 =	vperm.xlane v3, v0;
	_ =	sdelay $0x1  }
0x74: {  	v3 =	vperm.xlane v3, v2;
	v4 =	vadd.s32 v1, v4;
	_ =	sdelay $0x1  }
0x75: {  	v3 =	vadd.s32 v1, v3;
	_ =	sdelay $0x2  }
0x76: {  	[tilespmem:s23], [sflag:$0x2] =	stream.indirect_vreg.gather [hbm4b:s4+s2], $0x80, v4, vm0, $0xb8;
	[tilespmem:$0x10500] =	vst v63  }
0x77: {  	s25 =	simm.s32 $0x8D00  }
0x78: {  	[tilespmem:s25], [sflag:$0x2] =	stream.indirect_vreg.gather [hbm4b:s4+s2], $0x80, v3, vm0, $0xb8;
	[tilespmem:$0x10500] =	vst v63  }
0x79: {  	v3 =	vld [tilespmem:$0x90];
	_ =	sdelay $0x4  }
0x7a: {  	v49 =	vshll.u32 v3, $0x1  }
0x7b: {  	v3 =	vand.u32 $0x7, v3;
	v4 =	vand.u32 $0xFFFFFFF0, v49  }
0x7c: {  	v3 =	vor.u32 v3, v4  }
0x7d: {  	v4 =	vperm.xlane v3, v0;
	_ =	sdelay $0x1  }
0x7e: {  	v3 =	vperm.xlane v3, v2;
	v4 =	vadd.s32 v1, v4;
	_ =	sdelay $0x1  }
0x7f: {  	v3 =	vadd.s32 v1, v3;
	_ =	sdelay $0x1  }
0x80: {  	s26 =	simm.s32 $0x9500  }
0x81: {  	[tilespmem:s26], [sflag:$0x2] =	stream.indirect_vreg.gather [hbm4b:s4+s2], $0x80, v4, vm0, $0xb8;
	[tilespmem:$0x10500] =	vst v63  }
0x82: {  	s30 =	simm.s32 $0x9D00  }
0x83: {  	[tilespmem:s30], [sflag:$0x2] =	stream.indirect_vreg.gather [hbm4b:s4+s2], $0x80, v3, vm0, $0xb8;
	[tilespmem:$0x10500] =	vst v63  }
0x84: {  	v3 =	vld [tilespmem:$0xA0];
	_ =	sdelay $0x4  }
0x85: {  	v50 =	vshll.u32 v3, $0x1  }
0x86: {  	v3 =	vand.u32 $0x7, v3;
	v4 =	vand.u32 $0xFFFFFFF0, v50  }
0x87: {  	v3 =	vor.u32 v3, v4  }
0x88: {  	v4 =	vperm.xlane v3, v0;
	_ =	sdelay $0x1  }
0x89: {  	v3 =	vperm.xlane v3, v2;
	v4 =	vadd.s32 v1, v4;
	_ =	sdelay $0x1  }
0x8a: {  	v3 =	vadd.s32 v1, v3;
	_ =	sdelay $0x1  }
0x8b: {  	s31 =	simm.s32 $0xA500  }
0x8c: {  	[tilespmem:s31], [sflag:$0x2] =	stream.indirect_vreg.gather [hbm4b:s4+s2], $0x80, v4, vm0, $0xb8;
	[tilespmem:$0x10500] =	vst v63  }
0x8d: {  	s6 =	simm.s32 $0xAD00  }
0x8e: {  	[tilespmem:s6], [sflag:$0x2] =	stream.indirect_vreg.gather [hbm4b:s4+s2], $0x80, v3, vm0, $0xb8;
	[tilespmem:$0x10500] =	vst v63  }
0x8f: {  	v3 =	vld [tilespmem:$0xB0];
	_ =	sdelay $0x4  }
0x90: {  	v51 =	vshll.u32 v3, $0x1  }
0x91: {  	v3 =	vand.u32 $0x7, v3;
	v4 =	vand.u32 $0xFFFFFFF0, v51  }
0x92: {  	v3 =	vor.u32 v3, v4  }
0x93: {  	v4 =	vperm.xlane v3, v0;
	_ =	sdelay $0x1  }
0x94: {  	v3 =	vperm.xlane v3, v2;
	v4 =	vadd.s32 v1, v4;
	_ =	sdelay $0x1  }
0x95: {  	v3 =	vadd.s32 v1, v3;
	_ =	sdelay $0x1  }
0x96: {  	s8 =	simm.s32 $0xB500  }
0x97: {  	[tilespmem:s8], [sflag:$0x2] =	stream.indirect_vreg.gather [hbm4b:s4+s2], $0x80, v4, vm0, $0xb8;
	[tilespmem:$0x10500] =	vst v63  }
0x98: {  	s9 =	simm.s32 $0xBD00  }
0x99: {  	[tilespmem:s9], [sflag:$0x2] =	stream.indirect_vreg.gather [hbm4b:s4+s2], $0x80, v3, vm0, $0xb8;
	[tilespmem:$0x10500] =	vst v63  }
0x9a: {  	v3 =	vld [tilespmem:$0xC0];
	_ =	sdelay $0x4  }
0x9b: {  	v52 =	vshll.u32 v3, $0x1  }
0x9c: {  	v3 =	vand.u32 $0x7, v3;
	v4 =	vand.u32 $0xFFFFFFF0, v52  }
0x9d: {  	v3 =	vor.u32 v3, v4  }
0x9e: {  	v4 =	vperm.xlane v3, v0;
	_ =	sdelay $0x1  }
0x9f: {  	v3 =	vperm.xlane v3, v2;
	v4 =	vadd.s32 v1, v4;
	_ =	sdelay $0x1  }
0xa0: {  	v3 =	vadd.s32 v1, v3;
	_ =	sdelay $0x1  }
0xa1: {  	s10 =	simm.s32 $0xC500  }
0xa2: {  	[tilespmem:s10], [sflag:$0x2] =	stream.indirect_vreg.gather [hbm4b:s4+s2], $0x80, v4, vm0, $0xb8;
	[tilespmem:$0x10500] =	vst v63  }
0xa3: {  	s17 =	simm.s32 $0xCD00  }
0xa4: {  	[tilespmem:s17], [sflag:$0x2] =	stream.indirect_vreg.gather [hbm4b:s4+s2], $0x80, v3, vm0, $0xb8;
	[tilespmem:$0x10500] =	vst v63  }
0xa5: {  	v3 =	vld [tilespmem:$0xD0];
	_ =	sdelay $0x4  }
0xa6: {  	v53 =	vshll.u32 v3, $0x1  }
0xa7: {  	v3 =	vand.u32 $0x7, v3;
	v4 =	vand.u32 $0xFFFFFFF0, v53  }
0xa8: {  	v3 =	vor.u32 v3, v4  }
0xa9: {  	v4 =	vperm.xlane v3, v0;
	_ =	sdelay $0x1  }
0xaa: {  	v3 =	vperm.xlane v3, v2;
	v4 =	vadd.s32 v1, v4;
	_ =	sdelay $0x1  }
0xab: {  	v3 =	vadd.s32 v1, v3;
	_ =	sdelay $0x1  }
0xac: {  	s19 =	simm.s32 $0xD500  }
0xad: {  	[tilespmem:s19], [sflag:$0x2] =	stream.indirect_vreg.gather [hbm4b:s4+s2], $0x80, v4, vm0, $0xb8;
	[tilespmem:$0x10500] =	vst v63  }
0xae: {  	s21 =	simm.s32 $0xDD00  }
0xaf: {  	[tilespmem:s21], [sflag:$0x2] =	stream.indirect_vreg.gather [hbm4b:s4+s2], $0x80, v3, vm0, $0xb8;
	[tilespmem:$0x10500] =	vst v63  }
0xb0: {  	v3 =	vld [tilespmem:$0xE0];
	_ =	sdelay $0x4  }
0xb1: {  	v54 =	vshll.u32 v3, $0x1  }
0xb2: {  	v3 =	vand.u32 $0x7, v3;
	v4 =	vand.u32 $0xFFFFFFF0, v54  }
0xb3: {  	v3 =	vor.u32 v3, v4  }
0xb4: {  	v4 =	vperm.xlane v3, v0;
	_ =	sdelay $0x1  }
0xb5: {  	v3 =	vperm.xlane v3, v2;
	v4 =	vadd.s32 v1, v4;
	_ =	sdelay $0x1  }
0xb6: {  	v3 =	vadd.s32 v1, v3;
	_ =	sdelay $0x1  }
0xb7: {  	s25 =	simm.s32 $0xE500  }
0xb8: {  	[tilespmem:s25], [sflag:$0x2] =	stream.indirect_vreg.gather [hbm4b:s4+s2], $0x80, v4, vm0, $0xb8;
	[tilespmem:$0x10500] =	vst v63  }
0xb9: {  	s26 =	simm.s32 $0xED00  }
0xba: {  	[tilespmem:s26], [sflag:$0x2] =	stream.indirect_vreg.gather [hbm4b:s4+s2], $0x80, v3, vm0, $0xb8;
	[tilespmem:$0x10500] =	vst v63  }
0xbb: {  	v3 =	vld [tilespmem:$0xF0];
	_ =	sdelay $0x4  }
0xbc: {  	v55 =	vshll.u32 v3, $0x1  }
0xbd: {  	v3 =	vand.u32 $0x7, v3;
	v4 =	vand.u32 $0xFFFFFFF0, v55  }
0xbe: {  	v3 =	vor.u32 v3, v4  }
0xbf: {  	v4 =	vperm.xlane v3, v0;
	_ =	sdelay $0x1  }
0xc0: {  	v3 =	vperm.xlane v3, v2;
	v4 =	vadd.s32 v1, v4;
	_ =	sdelay $0x1  }
0xc1: {  	v3 =	vadd.s32 v1, v3;
	_ =	sdelay $0x1  }
0xc2: {  	s30 =	simm.s32 $0xF500  }
0xc3: {  	[tilespmem:s30], [sflag:$0x2] =	stream.indirect_vreg.gather [hbm4b:s4+s2], $0x80, v4, vm0, $0xb8;
	[tilespmem:$0x10500] =	vst v63  }
0xc4: {  	s31 =	simm.s32 $0xFD00  }
0xc5: {  	[tilespmem:s31], [sflag:$0x2] =	stream.indirect_vreg.gather [hbm4b:s4+s2], $0x80, v3, vm0, $0xb8;
	[tilespmem:$0x10500] =	vst v63  }
0xc6: {  	_ =	swait.ge [sflag:s12], $0x8000  }
0xc7: {  	[sflag:s12] =	ssyncset.done $0x0  }
0xc8: {  	s0 =	rddreg [dreg:$0xd];
	[sflag:s12] =	ssyncadd.s32 $0xFFFF8000  }
0xc9: {  	[hbm4b:s0+s2] =	stream.linear.scatter [tilespmem:s18], [sflag:$0x3], $0x8000, $0x38;
	[tilespmem:$0x10500] =	vst v63  }
0xca: {  	_ =	swait.ge [sflag:s13], $0x8000  }
0xcb: {  	[sflag:s13] =	ssyncset.done $0x0  }
0xcc: {  	[sflag:s13] =	ssyncadd.s32 $0xFFFF8000  }
0xcd: {  	v3 =	vld [tilespmem:$0x100];
	_ =	sdelay $0x4  }
0xce: {  	v56 =	vshll.u32 v3, $0x1  }
0xcf: {  	v3 =	vand.u32 $0x7, v3;
	v4 =	vand.u32 $0xFFFFFFF0, v56  }
0xd0: {  	v3 =	vor.u32 v3, v4  }
0xd1: {  	v4 =	vperm.xlane v3, v0;
	_ =	sdelay $0x1  }
0xd2: {  	v3 =	vperm.xlane v3, v2;
	v4 =	vadd.s32 v1, v4;
	_ =	sdelay $0x1  }
0xd3: {  	v3 =	vadd.s32 v1, v3;
	_ =	sdelay $0x2  }
0xd4: {  	[tilespmem:s18], [sflag:$0x1] =	stream.indirect_vreg.gather [hbm4b:s4+s2], $0x80, v4, vm0, $0xb8;
	[tilespmem:$0x10500] =	vst v63  }
0xd5: {  	s22 =	simm.s32 $0xD00  }
0xd6: {  	[tilespmem:s22], [sflag:$0x1] =	stream.indirect_vreg.gather [hbm4b:s4+s2], $0x80, v3, vm0, $0xb8;
	[tilespmem:$0x10500] =	vst v63  }
0xd7: {  	v3 =	vld [tilespmem:$0x110];
	_ =	sdelay $0x4  }
0xd8: {  	v57 =	vshll.u32 v3, $0x1  }
0xd9: {  	v3 =	vand.u32 $0x7, v3;
	v4 =	vand.u32 $0xFFFFFFF0, v57  }
0xda: {  	v3 =	vor.u32 v3, v4  }
0xdb: {  	v4 =	vperm.xlane v3, v0;
	_ =	sdelay $0x1  }
0xdc: {  	v3 =	vperm.xlane v3, v2;
	v4 =	vadd.s32 v1, v4;
	_ =	sdelay $0x1  }
0xdd: {  	v3 =	vadd.s32 v1, v3;
	_ =	sdelay $0x1  }
0xde: {  	s3 =	simm.s32 $0x1500  }
0xdf: {  	[tilespmem:s3], [sflag:$0x1] =	stream.indirect_vreg.gather [hbm4b:s4+s2], $0x80, v4, vm0, $0xb8;
	[tilespmem:$0x10500] =	vst v63  }
0xe0: {  	s25 =	simm.s32 $0x1D00  }
0xe1: {  	[tilespmem:s25], [sflag:$0x1] =	stream.indirect_vreg.gather [hbm4b:s4+s2], $0x80, v3, vm0, $0xb8;
	[tilespmem:$0x10500] =	vst v63  }
0xe2: {  	v3 =	vld [tilespmem:$0x120];
	_ =	sdelay $0x4  }
0xe3: {  	v58 =	vshll.u32 v3, $0x1  }
0xe4: {  	v3 =	vand.u32 $0x7, v3;
	v4 =	vand.u32 $0xFFFFFFF0, v58  }
0xe5: {  	v3 =	vor.u32 v3, v4  }
0xe6: {  	v4 =	vperm.xlane v3, v0;
	_ =	sdelay $0x1  }
0xe7: {  	v3 =	vperm.xlane v3, v2;
	v4 =	vadd.s32 v1, v4;
	_ =	sdelay $0x1  }
0xe8: {  	v3 =	vadd.s32 v1, v3;
	_ =	sdelay $0x1  }
0xe9: {  	s7 =	simm.s32 $0x2500  }
0xea: {  	[tilespmem:s7], [sflag:$0x1] =	stream.indirect_vreg.gather [hbm4b:s4+s2], $0x80, v4, vm0, $0xb8;
	[tilespmem:$0x10500] =	vst v63  }
0xeb: {  	s26 =	simm.s32 $0x2D00  }
0xec: {  	[tilespmem:s26], [sflag:$0x1] =	stream.indirect_vreg.gather [hbm4b:s4+s2], $0x80, v3, vm0, $0xb8;
	[tilespmem:$0x10500] =	vst v63  }
0xed: {  	v3 =	vld [tilespmem:$0x130];
	_ =	sdelay $0x4  }
0xee: {  	v59 =	vshll.u32 v3, $0x1  }
0xef: {  	v3 =	vand.u32 $0x7, v3;
	v4 =	vand.u32 $0xFFFFFFF0, v59  }
0xf0: {  	v3 =	vor.u32 v3, v4  }
0xf1: {  	v4 =	vperm.xlane v3, v0;
	_ =	sdelay $0x1  }
0xf2: {  	v3 =	vperm.xlane v3, v2;
	v4 =	vadd.s32 v1, v4;
	_ =	sdelay $0x1  }
0xf3: {  	v3 =	vadd.s32 v1, v3;
	_ =	sdelay $0x1  }
0xf4: {  	s22 =	simm.s32 $0x3500  }
0xf5: {  	[tilespmem:s22], [sflag:$0x1] =	stream.indirect_vreg.gather [hbm4b:s4+s2], $0x80, v4, vm0, $0xb8;
	[tilespmem:$0x10500] =	vst v63  }
0xf6: {  	s28 =	simm.s32 $0x3D00  }
0xf7: {  	[tilespmem:s28], [sflag:$0x1] =	stream.indirect_vreg.gather [hbm4b:s4+s2], $0x80, v3, vm0, $0xb8;
	[tilespmem:$0x10500] =	vst v63  }
0xf8: {  	v3 =	vld [tilespmem:$0x140];
	_ =	sdelay $0x4  }
0xf9: {  	v60 =	vshll.u32 v3, $0x1  }
0xfa: {  	v3 =	vand.u32 $0x7, v3;
	v4 =	vand.u32 $0xFFFFFFF0, v60  }
0xfb: {  	v3 =	vor.u32 v3, v4  }
0xfc: {  	v4 =	vperm.xlane v3, v0;
	_ =	sdelay $0x1  }
0xfd: {  	v3 =	vperm.xlane v3, v2;
	v4 =	vadd.s32 v1, v4;
	_ =	sdelay $0x1  }
0xfe: {  	v3 =	vadd.s32 v1, v3;
	_ =	sdelay $0x1  }
0xff: {  	s24 =	simm.s32 $0x4500  }
0x100: {  	[tilespmem:s24], [sflag:$0x1] =	stream.indirect_vreg.gather [hbm4b:s4+s2], $0x80, v4, vm0, $0xb8;
	[tilespmem:$0x10500] =	vst v63  }
0x101: {  	s30 =	simm.s32 $0x4D00  }
0x102: {  	[tilespmem:s30], [sflag:$0x1] =	stream.indirect_vreg.gather [hbm4b:s4+s2], $0x80, v3, vm0, $0xb8;
	[tilespmem:$0x10500] =	vst v63  }
0x103: {  	v3 =	vld [tilespmem:$0x150];
	_ =	sdelay $0x4  }
0x104: {  	v61 =	vshll.u32 v3, $0x1  }
0x105: {  	v3 =	vand.u32 $0x7, v3;
	v4 =	vand.u32 $0xFFFFFFF0, v61  }
0x106: {  	v3 =	vor.u32 v3, v4  }
0x107: {  	v4 =	vperm.xlane v3, v0;
	_ =	sdelay $0x1  }
0x108: {  	v3 =	vperm.xlane v3, v2;
	v4 =	vadd.s32 v1, v4;
	_ =	sdelay $0x1  }
0x109: {  	v3 =	vadd.s32 v1, v3;
	_ =	sdelay $0x1  }
0x10a: {  	s28 =	simm.s32 $0x5500  }
0x10b: {  	[tilespmem:s28], [sflag:$0x1] =	stream.indirect_vreg.gather [hbm4b:s4+s2], $0x80, v4, vm0, $0xb8;
	[tilespmem:$0x10500] =	vst v63  }
0x10c: {  	s31 =	simm.s32 $0x5D00  }
0x10d: {  	[tilespmem:s31], [sflag:$0x1] =	stream.indirect_vreg.gather [hbm4b:s4+s2], $0x80, v3, vm0, $0xb8;
	[tilespmem:$0x10500] =	vst v63  }
0x10e: {  	v3 =	vld [tilespmem:$0x160];
	_ =	sdelay $0x4  }
0x10f: {  	v62 =	vshll.u32 v3, $0x1  }
0x110: {  	v3 =	vand.u32 $0x7, v3;
	v4 =	vand.u32 $0xFFFFFFF0, v62  }
0x111: {  	v3 =	vor.u32 v3, v4  }
0x112: {  	v4 =	vperm.xlane v3, v0;
	_ =	sdelay $0x1  }
0x113: {  	v3 =	vperm.xlane v3, v2;
	v4 =	vadd.s32 v1, v4;
	_ =	sdelay $0x1  }
0x114: {  	v3 =	vadd.s32 v1, v3;
	_ =	sdelay $0x1  }
0x115: {  	s29 =	simm.s32 $0x6500  }
0x116: {  	[tilespmem:s29], [sflag:$0x1] =	stream.indirect_vreg.gather [hbm4b:s4+s2], $0x80, v4, vm0, $0xb8;
	[tilespmem:$0x10500] =	vst v63  }
0x117: {  	s17 =	simm.s32 $0x6D00  }
0x118: {  	[tilespmem:s17], [sflag:$0x1] =	stream.indirect_vreg.gather [hbm4b:s4+s2], $0x80, v3, vm0, $0xb8;
	[tilespmem:$0x10500] =	vst v63  }
0x119: {  	v3 =	vld [tilespmem:$0x170];
	_ =	sdelay $0x4  }
0x11a: {  	v63 =	vshll.u32 v3, $0x1  }
0x11b: {  	v3 =	vand.u32 $0x7, v3;
	v4 =	vand.u32 $0xFFFFFFF0, v63  }
0x11c: {  	v3 =	vor.u32 v3, v4  }
0x11d: {  	v4 =	vperm.xlane v3, v0;
	_ =	sdelay $0x1  }
0x11e: {  	v3 =	vperm.xlane v3, v2;
	v4 =	vadd.s32 v1, v4;
	_ =	sdelay $0x1  }
0x11f: {  	v3 =	vadd.s32 v1, v3;
	_ =	sdelay $0x1  }
0x120: {  	s24 =	simm.s32 $0x7500  }
0x121: {  	[tilespmem:s24], [sflag:$0x1] =	stream.indirect_vreg.gather [hbm4b:s4+s2], $0x80, v4, vm0, $0xb8;
	[tilespmem:$0x10500] =	vst v63  }
0x122: {  	s29 =	simm.s32 $0x7D00  }
0x123: {  	[tilespmem:s29], [sflag:$0x1] =	stream.indirect_vreg.gather [hbm4b:s4+s2], $0x80, v3, vm0, $0xb8;
	[tilespmem:$0x10500] =	vst v63  }
0x124: {  	_ =	swait.ge [sflag:s14], $0x8000  }
0x125: {  	[sflag:s14] =	ssyncset.done $0x0  }
0x126: {  	s7 =	rddreg [dreg:$0x4];
	[sflag:s14] =	ssyncadd.s32 $0xFFFF8000  }
0x127: {  	[hbm4b:s7+s2] =	stream.linear.scatter [tilespmem:s23], [sflag:$0x4], $0x8000, $0x38;
	[tilespmem:$0x10500] =	vst v63  }
0x128: {  	_ =	swait.ge [sflag:s15], $0x8000  }
0x129: {  	[sflag:s15] =	ssyncset.done $0x0  }
0x12a: {  	[sflag:s15] =	ssyncadd.s32 $0xFFFF8000  }
0x12b: {  	v3 =	vld [tilespmem:$0x180];
	_ =	sdelay $0x4  }
0x12c: {  	v8 =	vshll.u32 v3, $0x1  }
0x12d: {  	v3 =	vand.u32 $0x7, v3;
	v4 =	vand.u32 $0xFFFFFFF0, v8  }
0x12e: {  	v3 =	vor.u32 v3, v4  }
0x12f: {  	v4 =	vperm.xlane v3, v0;
	_ =	sdelay $0x1  }
0x130: {  	v3 =	vperm.xlane v3, v2;
	v4 =	vadd.s32 v1, v4;
	_ =	sdelay $0x1  }
0x131: {  	v3 =	vadd.s32 v1, v3;
	_ =	sdelay $0x2  }
0x132: {  	[tilespmem:s23], [sflag:$0x2] =	stream.indirect_vreg.gather [hbm4b:s4+s2], $0x80, v4, vm0, $0xb8;
	[tilespmem:$0x10500] =	vst v63  }
0x133: {  	s1 =	simm.s32 $0x8D00  }
0x134: {  	[tilespmem:s1], [sflag:$0x2] =	stream.indirect_vreg.gather [hbm4b:s4+s2], $0x80, v3, vm0, $0xb8;
	[tilespmem:$0x10500] =	vst v63  }
0x135: {  	v3 =	vld [tilespmem:$0x190];
	_ =	sdelay $0x4  }
0x136: {  	v9 =	vshll.u32 v3, $0x1  }
0x137: {  	v3 =	vand.u32 $0x7, v3;
	v4 =	vand.u32 $0xFFFFFFF0, v9  }
0x138: {  	v3 =	vor.u32 v3, v4  }
0x139: {  	v4 =	vperm.xlane v3, v0;
	_ =	sdelay $0x1  }
0x13a: {  	v3 =	vperm.xlane v3, v2;
	v4 =	vadd.s32 v1, v4;
	_ =	sdelay $0x1  }
0x13b: {  	v3 =	vadd.s32 v1, v3;
	_ =	sdelay $0x1  }
0x13c: {  	s0 =	simm.s32 $0x9500  }
0x13d: {  	[tilespmem:s0], [sflag:$0x2] =	stream.indirect_vreg.gather [hbm4b:s4+s2], $0x80, v4, vm0, $0xb8;
	[tilespmem:$0x10500] =	vst v63  }
0x13e: {  	s3 =	simm.s32 $0x9D00  }
0x13f: {  	[tilespmem:s3], [sflag:$0x2] =	stream.indirect_vreg.gather [hbm4b:s4+s2], $0x80, v3, vm0, $0xb8;
	[tilespmem:$0x10500] =	vst v63  }
0x140: {  	v3 =	vld [tilespmem:$0x1A0];
	_ =	sdelay $0x4  }
0x141: {  	v10 =	vshll.u32 v3, $0x1  }
0x142: {  	v3 =	vand.u32 $0x7, v3;
	v4 =	vand.u32 $0xFFFFFFF0, v10  }
0x143: {  	v3 =	vor.u32 v3, v4  }
0x144: {  	v4 =	vperm.xlane v3, v0;
	_ =	sdelay $0x1  }
0x145: {  	v3 =	vperm.xlane v3, v2;
	v4 =	vadd.s32 v1, v4;
	_ =	sdelay $0x1  }
0x146: {  	v3 =	vadd.s32 v1, v3;
	_ =	sdelay $0x1  }
0x147: {  	s1 =	simm.s32 $0xA500  }
0x148: {  	[tilespmem:s1], [sflag:$0x2] =	stream.indirect_vreg.gather [hbm4b:s4+s2], $0x80, v4, vm0, $0xb8;
	[tilespmem:$0x10500] =	vst v63  }
0x149: {  	s7 =	simm.s32 $0xAD00  }
0x14a: {  	[tilespmem:s7], [sflag:$0x2] =	stream.indirect_vreg.gather [hbm4b:s4+s2], $0x80, v3, vm0, $0xb8;
	[tilespmem:$0x10500] =	vst v63  }
0x14b: {  	v3 =	vld [tilespmem:$0x1B0];
	_ =	sdelay $0x4  }
0x14c: {  	v11 =	vshll.u32 v3, $0x1  }
0x14d: {  	v3 =	vand.u32 $0x7, v3;
	v4 =	vand.u32 $0xFFFFFFF0, v11  }
0x14e: {  	v3 =	vor.u32 v3, v4  }
0x14f: {  	v4 =	vperm.xlane v3, v0;
	_ =	sdelay $0x1  }
0x150: {  	v3 =	vperm.xlane v3, v2;
	v4 =	vadd.s32 v1, v4;
	_ =	sdelay $0x1  }
0x151: {  	v3 =	vadd.s32 v1, v3;
	_ =	sdelay $0x1  }
0x152: {  	s20 =	simm.s32 $0xB500  }
0x153: {  	[tilespmem:s20], [sflag:$0x2] =	stream.indirect_vreg.gather [hbm4b:s4+s2], $0x80, v4, vm0, $0xb8;
	[tilespmem:$0x10500] =	vst v63  }
0x154: {  	s11 =	simm.s32 $0xBD00  }
0x155: {  	[tilespmem:s11], [sflag:$0x2] =	stream.indirect_vreg.gather [hbm4b:s4+s2], $0x80, v3, vm0, $0xb8;
	[tilespmem:$0x10500] =	vst v63  }
0x156: {  	v3 =	vld [tilespmem:$0x1C0];
	_ =	sdelay $0x4  }
0x157: {  	v12 =	vshll.u32 v3, $0x1  }
0x158: {  	v3 =	vand.u32 $0x7, v3;
	v4 =	vand.u32 $0xFFFFFFF0, v12  }
0x159: {  	v3 =	vor.u32 v3, v4  }
0x15a: {  	v4 =	vperm.xlane v3, v0;
	_ =	sdelay $0x1  }
0x15b: {  	v3 =	vperm.xlane v3, v2;
	v4 =	vadd.s32 v1, v4;
	_ =	sdelay $0x1  }
0x15c: {  	v3 =	vadd.s32 v1, v3;
	_ =	sdelay $0x1  }
0x15d: {  	s16 =	simm.s32 $0xC500  }
0x15e: {  	[tilespmem:s16], [sflag:$0x2] =	stream.indirect_vreg.gather [hbm4b:s4+s2], $0x80, v4, vm0, $0xb8;
	[tilespmem:$0x10500] =	vst v63  }
0x15f: {  	s6 =	simm.s32 $0xCD00  }
0x160: {  	[tilespmem:s6], [sflag:$0x2] =	stream.indirect_vreg.gather [hbm4b:s4+s2], $0x80, v3, vm0, $0xb8;
	[tilespmem:$0x10500] =	vst v63  }
0x161: {  	v3 =	vld [tilespmem:$0x1D0];
	_ =	sdelay $0x4  }
0x162: {  	v13 =	vshll.u32 v3, $0x1  }
0x163: {  	v3 =	vand.u32 $0x7, v3;
	v4 =	vand.u32 $0xFFFFFFF0, v13  }
0x164: {  	v3 =	vor.u32 v3, v4  }
0x165: {  	v4 =	vperm.xlane v3, v0;
	_ =	sdelay $0x1  }
0x166: {  	v3 =	vperm.xlane v3, v2;
	v4 =	vadd.s32 v1, v4;
	_ =	sdelay $0x1  }
0x167: {  	v3 =	vadd.s32 v1, v3;
	_ =	sdelay $0x1  }
0x168: {  	s19 =	simm.s32 $0xD500  }
0x169: {  	[tilespmem:s19], [sflag:$0x2] =	stream.indirect_vreg.gather [hbm4b:s4+s2], $0x80, v4, vm0, $0xb8;
	[tilespmem:$0x10500] =	vst v63  }
0x16a: {  	s8 =	simm.s32 $0xDD00  }
0x16b: {  	[tilespmem:s8], [sflag:$0x2] =	stream.indirect_vreg.gather [hbm4b:s4+s2], $0x80, v3, vm0, $0xb8;
	[tilespmem:$0x10500] =	vst v63  }
0x16c: {  	v3 =	vld [tilespmem:$0x1E0];
	_ =	sdelay $0x4  }
0x16d: {  	v14 =	vshll.u32 v3, $0x1  }
0x16e: {  	v3 =	vand.u32 $0x7, v3;
	v4 =	vand.u32 $0xFFFFFFF0, v14  }
0x16f: {  	v3 =	vor.u32 v3, v4  }
0x170: {  	v4 =	vperm.xlane v3, v0;
	_ =	sdelay $0x1  }
0x171: {  	v3 =	vperm.xlane v3, v2;
	v4 =	vadd.s32 v1, v4;
	_ =	sdelay $0x1  }
0x172: {  	v3 =	vadd.s32 v1, v3;
	_ =	sdelay $0x1  }
0x173: {  	s21 =	simm.s32 $0xE500  }
0x174: {  	[tilespmem:s21], [sflag:$0x2] =	stream.indirect_vreg.gather [hbm4b:s4+s2], $0x80, v4, vm0, $0xb8;
	[tilespmem:$0x10500] =	vst v63  }
0x175: {  	s9 =	simm.s32 $0xED00  }
0x176: {  	[tilespmem:s9], [sflag:$0x2] =	stream.indirect_vreg.gather [hbm4b:s4+s2], $0x80, v3, vm0, $0xb8;
	[tilespmem:$0x10500] =	vst v63  }
0x177: {  	v3 =	vld [tilespmem:$0x1F0];
	_ =	sdelay $0x4  }
0x178: {  	v15 =	vshll.u32 v3, $0x1  }
0x179: {  	v3 =	vand.u32 $0x7, v3;
	v4 =	vand.u32 $0xFFFFFFF0, v15  }
0x17a: {  	v3 =	vor.u32 v3, v4  }
0x17b: {  	v4 =	vperm.xlane v3, v0;
	_ =	sdelay $0x1  }
0x17c: {  	v3 =	vperm.xlane v3, v2;
	v4 =	vadd.s32 v1, v4;
	_ =	sdelay $0x1  }
0x17d: {  	v3 =	vadd.s32 v1, v3;
	_ =	sdelay $0x1  }
0x17e: {  	s16 =	simm.s32 $0xF500  }
0x17f: {  	[tilespmem:s16], [sflag:$0x2] =	stream.indirect_vreg.gather [hbm4b:s4+s2], $0x80, v4, vm0, $0xb8;
	[tilespmem:$0x10500] =	vst v63  }
0x180: {  	s10 =	simm.s32 $0xFD00  }
0x181: {  	[tilespmem:s10], [sflag:$0x2] =	stream.indirect_vreg.gather [hbm4b:s4+s2], $0x80, v3, vm0, $0xb8;
	[tilespmem:$0x10500] =	vst v63  }
0x182: {  	_ =	swait.ge [sflag:s12], $0x8000  }
0x183: {  	[sflag:s12] =	ssyncset.done $0x0  }
0x184: {  	s21 =	rddreg [dreg:$0x5];
	[sflag:s12] =	ssyncadd.s32 $0xFFFF8000  }
0x185: {  	[hbm4b:s21+s2] =	stream.linear.scatter [tilespmem:s18], [sflag:$0x3], $0x8000, $0x38;
	[tilespmem:$0x10500] =	vst v63  }
0x186: {  	_ =	swait.ge [sflag:s13], $0x8000  }
0x187: {  	[sflag:s13] =	ssyncset.done $0x0  }
0x188: {  	[sflag:s13] =	ssyncadd.s32 $0xFFFF8000  }
0x189: {  	v3 =	vld [tilespmem:$0x200];
	_ =	sdelay $0x4  }
0x18a: {  	v16 =	vshll.u32 v3, $0x1  }
0x18b: {  	v3 =	vand.u32 $0x7, v3;
	v4 =	vand.u32 $0xFFFFFFF0, v16  }
0x18c: {  	v3 =	vor.u32 v3, v4  }
0x18d: {  	v4 =	vperm.xlane v3, v0;
	_ =	sdelay $0x1  }
0x18e: {  	v3 =	vperm.xlane v3, v2;
	v4 =	vadd.s32 v1, v4;
	_ =	sdelay $0x1  }
0x18f: {  	v3 =	vadd.s32 v1, v3;
	_ =	sdelay $0x2  }
0x190: {  	[tilespmem:s18], [sflag:$0x1] =	stream.indirect_vreg.gather [hbm4b:s4+s2], $0x80, v4, vm0, $0xb8;
	[tilespmem:$0x10500] =	vst v63  }
0x191: {  	s21 =	simm.s32 $0xD00  }
0x192: {  	[tilespmem:s21], [sflag:$0x1] =	stream.indirect_vreg.gather [hbm4b:s4+s2], $0x80, v3, vm0, $0xb8;
	[tilespmem:$0x10500] =	vst v63  }
0x193: {  	v3 =	vld [tilespmem:$0x210];
	_ =	sdelay $0x4  }
0x194: {  	v17 =	vshll.u32 v3, $0x1  }
0x195: {  	v3 =	vand.u32 $0x7, v3;
	v4 =	vand.u32 $0xFFFFFFF0, v17  }
0x196: {  	v3 =	vor.u32 v3, v4  }
0x197: {  	v4 =	vperm.xlane v3, v0;
	_ =	sdelay $0x1  }
0x198: {  	v3 =	vperm.xlane v3, v2;
	v4 =	vadd.s32 v1, v4;
	_ =	sdelay $0x1  }
0x199: {  	v3 =	vadd.s32 v1, v3;
	_ =	sdelay $0x1  }
0x19a: {  	s21 =	simm.s32 $0x1500  }
0x19b: {  	[tilespmem:s21], [sflag:$0x1] =	stream.indirect_vreg.gather [hbm4b:s4+s2], $0x80, v4, vm0, $0xb8;
	[tilespmem:$0x10500] =	vst v63  }
0x19c: {  	_ = 	snop  }
0x19d: {  	[tilespmem:s25], [sflag:$0x1] =	stream.indirect_vreg.gather [hbm4b:s4+s2], $0x80, v3, vm0, $0xb8;
	[tilespmem:$0x10500] =	vst v63  }
0x19e: {  	v3 =	vld [tilespmem:$0x220];
	_ =	sdelay $0x4  }
0x19f: {  	v18 =	vshll.u32 v3, $0x1  }
0x1a0: {  	v3 =	vand.u32 $0x7, v3;
	v4 =	vand.u32 $0xFFFFFFF0, v18  }
0x1a1: {  	v3 =	vor.u32 v3, v4  }
0x1a2: {  	v4 =	vperm.xlane v3, v0;
	_ =	sdelay $0x1  }
0x1a3: {  	v3 =	vperm.xlane v3, v2;
	v4 =	vadd.s32 v1, v4;
	_ =	sdelay $0x1  }
0x1a4: {  	v3 =	vadd.s32 v1, v3;
	_ =	sdelay $0x1  }
0x1a5: {  	s21 =	simm.s32 $0x2500  }
0x1a6: {  	[tilespmem:s21], [sflag:$0x1] =	stream.indirect_vreg.gather [hbm4b:s4+s2], $0x80, v4, vm0, $0xb8;
	[tilespmem:$0x10500] =	vst v63  }
0x1a7: {  	_ = 	snop  }
0x1a8: {  	[tilespmem:s26], [sflag:$0x1] =	stream.indirect_vreg.gather [hbm4b:s4+s2], $0x80, v3, vm0, $0xb8;
	[tilespmem:$0x10500] =	vst v63  }
0x1a9: {  	v3 =	vld [tilespmem:$0x230];
	_ =	sdelay $0x4  }
0x1aa: {  	v19 =	vshll.u32 v3, $0x1  }
0x1ab: {  	v3 =	vand.u32 $0x7, v3;
	v4 =	vand.u32 $0xFFFFFFF0, v19  }
0x1ac: {  	v3 =	vor.u32 v3, v4  }
0x1ad: {  	v4 =	vperm.xlane v3, v0;
	_ =	sdelay $0x1  }
0x1ae: {  	v3 =	vperm.xlane v3, v2;
	v4 =	vadd.s32 v1, v4;
	_ =	sdelay $0x1  }
0x1af: {  	v3 =	vadd.s32 v1, v3;
	_ =	sdelay $0x2  }
0x1b0: {  	[tilespmem:s22], [sflag:$0x1] =	stream.indirect_vreg.gather [hbm4b:s4+s2], $0x80, v4, vm0, $0xb8;
	[tilespmem:$0x10500] =	vst v63  }
0x1b1: {  	s22 =	simm.s32 $0x3D00  }
0x1b2: {  	[tilespmem:s22], [sflag:$0x1] =	stream.indirect_vreg.gather [hbm4b:s4+s2], $0x80, v3, vm0, $0xb8;
	[tilespmem:$0x10500] =	vst v63  }
0x1b3: {  	v3 =	vld [tilespmem:$0x240];
	_ =	sdelay $0x4  }
0x1b4: {  	v20 =	vshll.u32 v3, $0x1  }
0x1b5: {  	v3 =	vand.u32 $0x7, v3;
	v4 =	vand.u32 $0xFFFFFFF0, v20  }
0x1b6: {  	v3 =	vor.u32 v3, v4  }
0x1b7: {  	v4 =	vperm.xlane v3, v0;
	_ =	sdelay $0x1  }
0x1b8: {  	v3 =	vperm.xlane v3, v2;
	v4 =	vadd.s32 v1, v4;
	_ =	sdelay $0x1  }
0x1b9: {  	v3 =	vadd.s32 v1, v3;
	_ =	sdelay $0x1  }
0x1ba: {  	s22 =	simm.s32 $0x4500  }
0x1bb: {  	[tilespmem:s22], [sflag:$0x1] =	stream.indirect_vreg.gather [hbm4b:s4+s2], $0x80, v4, vm0, $0xb8;
	[tilespmem:$0x10500] =	vst v63  }
0x1bc: {  	_ = 	snop  }
0x1bd: {  	[tilespmem:s30], [sflag:$0x1] =	stream.indirect_vreg.gather [hbm4b:s4+s2], $0x80, v3, vm0, $0xb8;
	[tilespmem:$0x10500] =	vst v63  }
0x1be: {  	v3 =	vld [tilespmem:$0x250];
	_ =	sdelay $0x4  }
0x1bf: {  	v21 =	vshll.u32 v3, $0x1  }
0x1c0: {  	v3 =	vand.u32 $0x7, v3;
	v4 =	vand.u32 $0xFFFFFFF0, v21  }
0x1c1: {  	v3 =	vor.u32 v3, v4  }
0x1c2: {  	v4 =	vperm.xlane v3, v0;
	_ =	sdelay $0x1  }
0x1c3: {  	v3 =	vperm.xlane v3, v2;
	v4 =	vadd.s32 v1, v4;
	_ =	sdelay $0x1  }
0x1c4: {  	v3 =	vadd.s32 v1, v3;
	_ =	sdelay $0x2  }
0x1c5: {  	[tilespmem:s28], [sflag:$0x1] =	stream.indirect_vreg.gather [hbm4b:s4+s2], $0x80, v4, vm0, $0xb8;
	[tilespmem:$0x10500] =	vst v63  }
0x1c6: {  	_ = 	snop  }
0x1c7: {  	[tilespmem:s31], [sflag:$0x1] =	stream.indirect_vreg.gather [hbm4b:s4+s2], $0x80, v3, vm0, $0xb8;
	[tilespmem:$0x10500] =	vst v63  }
0x1c8: {  	v3 =	vld [tilespmem:$0x260];
	_ =	sdelay $0x4  }
0x1c9: {  	v22 =	vshll.u32 v3, $0x1  }
0x1ca: {  	v3 =	vand.u32 $0x7, v3;
	v4 =	vand.u32 $0xFFFFFFF0, v22  }
0x1cb: {  	v3 =	vor.u32 v3, v4  }
0x1cc: {  	v4 =	vperm.xlane v3, v0;
	_ =	sdelay $0x1  }
0x1cd: {  	v3 =	vperm.xlane v3, v2;
	v4 =	vadd.s32 v1, v4;
	_ =	sdelay $0x1  }
0x1ce: {  	v3 =	vadd.s32 v1, v3;
	_ =	sdelay $0x1  }
0x1cf: {  	s31 =	simm.s32 $0x6500  }
0x1d0: {  	[tilespmem:s31], [sflag:$0x1] =	stream.indirect_vreg.gather [hbm4b:s4+s2], $0x80, v4, vm0, $0xb8;
	[tilespmem:$0x10500] =	vst v63  }
0x1d1: {  	_ = 	snop  }
0x1d2: {  	[tilespmem:s17], [sflag:$0x1] =	stream.indirect_vreg.gather [hbm4b:s4+s2], $0x80, v3, vm0, $0xb8;
	[tilespmem:$0x10500] =	vst v63  }
0x1d3: {  	v3 =	vld [tilespmem:$0x270];
	_ =	sdelay $0x4  }
0x1d4: {  	v23 =	vshll.u32 v3, $0x1  }
0x1d5: {  	v3 =	vand.u32 $0x7, v3;
	v4 =	vand.u32 $0xFFFFFFF0, v23  }
0x1d6: {  	v3 =	vor.u32 v3, v4  }
0x1d7: {  	v4 =	vperm.xlane v3, v0;
	_ =	sdelay $0x1  }
0x1d8: {  	v3 =	vperm.xlane v3, v2;
	v4 =	vadd.s32 v1, v4;
	_ =	sdelay $0x1  }
0x1d9: {  	v3 =	vadd.s32 v1, v3;
	_ =	sdelay $0x2  }
0x1da: {  	[tilespmem:s24], [sflag:$0x1] =	stream.indirect_vreg.gather [hbm4b:s4+s2], $0x80, v4, vm0, $0xb8;
	[tilespmem:$0x10500] =	vst v63  }
0x1db: {  	_ = 	snop  }
0x1dc: {  	[tilespmem:s29], [sflag:$0x1] =	stream.indirect_vreg.gather [hbm4b:s4+s2], $0x80, v3, vm0, $0xb8;
	[tilespmem:$0x10500] =	vst v63  }
0x1dd: {  	_ =	swait.ge [sflag:s14], $0x8000  }
0x1de: {  	[sflag:s14] =	ssyncset.done $0x0  }
0x1df: {  	s31 =	rddreg [dreg:$0x6];
	[sflag:s14] =	ssyncadd.s32 $0xFFFF8000  }
0x1e0: {  	[hbm4b:s31+s2] =	stream.linear.scatter [tilespmem:s23], [sflag:$0x4], $0x8000, $0x38;
	[tilespmem:$0x10500] =	vst v63  }
0x1e1: {  	_ =	swait.ge [sflag:s15], $0x8000  }
0x1e2: {  	[sflag:s15] =	ssyncset.done $0x0  }
0x1e3: {  	[sflag:s15] =	ssyncadd.s32 $0xFFFF8000  }
0x1e4: {  	v3 =	vld [tilespmem:$0x280];
	_ =	sdelay $0x4  }
0x1e5: {  	v24 =	vshll.u32 v3, $0x1  }
0x1e6: {  	v3 =	vand.u32 $0x7, v3;
	v4 =	vand.u32 $0xFFFFFFF0, v24  }
0x1e7: {  	v3 =	vor.u32 v3, v4  }
0x1e8: {  	v4 =	vperm.xlane v3, v0;
	_ =	sdelay $0x1  }
0x1e9: {  	v3 =	vperm.xlane v3, v2;
	v4 =	vadd.s32 v1, v4;
	_ =	sdelay $0x1  }
0x1ea: {  	v3 =	vadd.s32 v1, v3;
	_ =	sdelay $0x2  }
0x1eb: {  	[tilespmem:s23], [sflag:$0x2] =	stream.indirect_vreg.gather [hbm4b:s4+s2], $0x80, v4, vm0, $0xb8;
	[tilespmem:$0x10500] =	vst v63  }
0x1ec: {  	s24 =	simm.s32 $0x8D00  }
0x1ed: {  	[tilespmem:s24], [sflag:$0x2] =	stream.indirect_vreg.gather [hbm4b:s4+s2], $0x80, v3, vm0, $0xb8;
	[tilespmem:$0x10500] =	vst v63  }
0x1ee: {  	v3 =	vld [tilespmem:$0x290];
	_ =	sdelay $0x4  }
0x1ef: {  	v25 =	vshll.u32 v3, $0x1  }
0x1f0: {  	v3 =	vand.u32 $0x7, v3;
	v4 =	vand.u32 $0xFFFFFFF0, v25  }
0x1f1: {  	v3 =	vor.u32 v3, v4  }
0x1f2: {  	v4 =	vperm.xlane v3, v0;
	_ =	sdelay $0x1  }
0x1f3: {  	v3 =	vperm.xlane v3, v2;
	v4 =	vadd.s32 v1, v4;
	_ =	sdelay $0x1  }
0x1f4: {  	v3 =	vadd.s32 v1, v3;
	_ =	sdelay $0x2  }
0x1f5: {  	[tilespmem:s0], [sflag:$0x2] =	stream.indirect_vreg.gather [hbm4b:s4+s2], $0x80, v4, vm0, $0xb8;
	[tilespmem:$0x10500] =	vst v63  }
0x1f6: {  	_ = 	snop  }
0x1f7: {  	[tilespmem:s3], [sflag:$0x2] =	stream.indirect_vreg.gather [hbm4b:s4+s2], $0x80, v3, vm0, $0xb8;
	[tilespmem:$0x10500] =	vst v63  }
0x1f8: {  	v3 =	vld [tilespmem:$0x2A0];
	_ =	sdelay $0x4  }
0x1f9: {  	v26 =	vshll.u32 v3, $0x1  }
0x1fa: {  	v3 =	vand.u32 $0x7, v3;
	v4 =	vand.u32 $0xFFFFFFF0, v26  }
0x1fb: {  	v3 =	vor.u32 v3, v4  }
0x1fc: {  	v4 =	vperm.xlane v3, v0;
	_ =	sdelay $0x1  }
0x1fd: {  	v3 =	vperm.xlane v3, v2;
	v4 =	vadd.s32 v1, v4;
	_ =	sdelay $0x1  }
0x1fe: {  	v3 =	vadd.s32 v1, v3;
	_ =	sdelay $0x2  }
0x1ff: {  	[tilespmem:s1], [sflag:$0x2] =	stream.indirect_vreg.gather [hbm4b:s4+s2], $0x80, v4, vm0, $0xb8;
	[tilespmem:$0x10500] =	vst v63  }
0x200: {  	_ = 	snop  }
0x201: {  	[tilespmem:s7], [sflag:$0x2] =	stream.indirect_vreg.gather [hbm4b:s4+s2], $0x80, v3, vm0, $0xb8;
	[tilespmem:$0x10500] =	vst v63  }
0x202: {  	v3 =	vld [tilespmem:$0x2B0];
	_ =	sdelay $0x4  }
0x203: {  	v27 =	vshll.u32 v3, $0x1  }
0x204: {  	v3 =	vand.u32 $0x7, v3;
	v4 =	vand.u32 $0xFFFFFFF0, v27  }
0x205: {  	v3 =	vor.u32 v3, v4  }
0x206: {  	v4 =	vperm.xlane v3, v0;
	_ =	sdelay $0x1  }
0x207: {  	v3 =	vperm.xlane v3, v2;
	v4 =	vadd.s32 v1, v4;
	_ =	sdelay $0x1  }
0x208: {  	v3 =	vadd.s32 v1, v3;
	_ =	sdelay $0x1  }
0x209: {  	s20 =	simm.s32 $0xB500  }
0x20a: {  	[tilespmem:s20], [sflag:$0x2] =	stream.indirect_vreg.gather [hbm4b:s4+s2], $0x80, v4, vm0, $0xb8;
	[tilespmem:$0x10500] =	vst v63  }
0x20b: {  	s31 =	simm.s32 $0xBD00  }
0x20c: {  	[tilespmem:s31], [sflag:$0x2] =	stream.indirect_vreg.gather [hbm4b:s4+s2], $0x80, v3, vm0, $0xb8;
	[tilespmem:$0x10500] =	vst v63  }
0x20d: {  	v3 =	vld [tilespmem:$0x2C0];
	_ =	sdelay $0x4  }
0x20e: {  	v28 =	vshll.u32 v3, $0x1  }
0x20f: {  	v3 =	vand.u32 $0x7, v3;
	v4 =	vand.u32 $0xFFFFFFF0, v28  }
0x210: {  	v3 =	vor.u32 v3, v4  }
0x211: {  	v4 =	vperm.xlane v3, v0;
	_ =	sdelay $0x1  }
0x212: {  	v3 =	vperm.xlane v3, v2;
	v4 =	vadd.s32 v1, v4;
	_ =	sdelay $0x1  }
0x213: {  	v3 =	vadd.s32 v1, v3;
	_ =	sdelay $0x1  }
0x214: {  	s11 =	simm.s32 $0xC500  }
0x215: {  	[tilespmem:s11], [sflag:$0x2] =	stream.indirect_vreg.gather [hbm4b:s4+s2], $0x80, v4, vm0, $0xb8;
	[tilespmem:$0x10500] =	vst v63  }
0x216: {  	s16 =	simm.s32 $0xCD00  }
0x217: {  	[tilespmem:s16], [sflag:$0x2] =	stream.indirect_vreg.gather [hbm4b:s4+s2], $0x80, v3, vm0, $0xb8;
	[tilespmem:$0x10500] =	vst v63  }
0x218: {  	v3 =	vld [tilespmem:$0x2D0];
	_ =	sdelay $0x4  }
0x219: {  	v29 =	vshll.u32 v3, $0x1  }
0x21a: {  	v3 =	vand.u32 $0x7, v3;
	v4 =	vand.u32 $0xFFFFFFF0, v29  }
0x21b: {  	v3 =	vor.u32 v3, v4  }
0x21c: {  	v4 =	vperm.xlane v3, v0;
	_ =	sdelay $0x1  }
0x21d: {  	v3 =	vperm.xlane v3, v2;
	v4 =	vadd.s32 v1, v4;
	_ =	sdelay $0x1  }
0x21e: {  	v3 =	vadd.s32 v1, v3;
	_ =	sdelay $0x1  }
0x21f: {  	s6 =	simm.s32 $0xD500  }
0x220: {  	[tilespmem:s6], [sflag:$0x2] =	stream.indirect_vreg.gather [hbm4b:s4+s2], $0x80, v4, vm0, $0xb8;
	[tilespmem:$0x10500] =	vst v63  }
0x221: {  	s16 =	simm.s32 $0xDD00  }
0x222: {  	[tilespmem:s16], [sflag:$0x2] =	stream.indirect_vreg.gather [hbm4b:s4+s2], $0x80, v3, vm0, $0xb8;
	[tilespmem:$0x10500] =	vst v63  }
0x223: {  	v3 =	vld [tilespmem:$0x2E0];
	_ =	sdelay $0x4  }
0x224: {  	v30 =	vshll.u32 v3, $0x1  }
0x225: {  	v3 =	vand.u32 $0x7, v3;
	v4 =	vand.u32 $0xFFFFFFF0, v30  }
0x226: {  	v3 =	vor.u32 v3, v4  }
0x227: {  	v4 =	vperm.xlane v3, v0;
	_ =	sdelay $0x1  }
0x228: {  	v3 =	vperm.xlane v3, v2;
	v4 =	vadd.s32 v1, v4;
	_ =	sdelay $0x1  }
0x229: {  	v3 =	vadd.s32 v1, v3;
	_ =	sdelay $0x1  }
0x22a: {  	s19 =	simm.s32 $0xE500  }
0x22b: {  	[tilespmem:s19], [sflag:$0x2] =	stream.indirect_vreg.gather [hbm4b:s4+s2], $0x80, v4, vm0, $0xb8;
	[tilespmem:$0x10500] =	vst v63  }
0x22c: {  	s9 =	simm.s32 $0xED00  }
0x22d: {  	[tilespmem:s9], [sflag:$0x2] =	stream.indirect_vreg.gather [hbm4b:s4+s2], $0x80, v3, vm0, $0xb8;
	[tilespmem:$0x10500] =	vst v63  }
0x22e: {  	v3 =	vld [tilespmem:$0x2F0];
	_ =	sdelay $0x4  }
0x22f: {  	v31 =	vshll.u32 v3, $0x1  }
0x230: {  	v3 =	vand.u32 $0x7, v3;
	v4 =	vand.u32 $0xFFFFFFF0, v31  }
0x231: {  	v3 =	vor.u32 v3, v4  }
0x232: {  	v4 =	vperm.xlane v3, v0;
	_ =	sdelay $0x1  }
0x233: {  	v3 =	vperm.xlane v3, v2;
	v4 =	vadd.s32 v1, v4;
	_ =	sdelay $0x1  }
0x234: {  	v3 =	vadd.s32 v1, v3;
	_ =	sdelay $0x1  }
0x235: {  	s8 =	simm.s32 $0xF500  }
0x236: {  	[tilespmem:s8], [sflag:$0x2] =	stream.indirect_vreg.gather [hbm4b:s4+s2], $0x80, v4, vm0, $0xb8;
	[tilespmem:$0x10500] =	vst v63  }
0x237: {  	s10 =	simm.s32 $0xFD00  }
0x238: {  	[tilespmem:s10], [sflag:$0x2] =	stream.indirect_vreg.gather [hbm4b:s4+s2], $0x80, v3, vm0, $0xb8;
	[tilespmem:$0x10500] =	vst v63  }
0x239: {  	_ =	swait.ge [sflag:s12], $0x8000  }
0x23a: {  	[sflag:s12] =	ssyncset.done $0x0  }
0x23b: {  	s6 =	rddreg [dreg:$0x7];
	[sflag:s12] =	ssyncadd.s32 $0xFFFF8000  }
0x23c: {  	[hbm4b:s6+s2] =	stream.linear.scatter [tilespmem:s18], [sflag:$0x3], $0x8000, $0x38;
	[tilespmem:$0x10500] =	vst v63  }
0x23d: {  	_ =	swait.ge [sflag:s13], $0x8000  }
0x23e: {  	[sflag:s13] =	ssyncset.done $0x0  }
0x23f: {  	[sflag:s13] =	ssyncadd.s32 $0xFFFF8000  }
0x240: {  	v3 =	vld [tilespmem:$0x300];
	_ =	sdelay $0x4  }
0x241: {  	v32 =	vshll.u32 v3, $0x1  }
0x242: {  	v3 =	vand.u32 $0x7, v3;
	v4 =	vand.u32 $0xFFFFFFF0, v32  }
0x243: {  	v3 =	vor.u32 v3, v4  }
0x244: {  	v4 =	vperm.xlane v3, v0;
	_ =	sdelay $0x1  }
0x245: {  	v3 =	vperm.xlane v3, v2;
	v4 =	vadd.s32 v1, v4;
	_ =	sdelay $0x1  }
0x246: {  	v3 =	vadd.s32 v1, v3;
	_ =	sdelay $0x2  }
0x247: {  	[tilespmem:s18], [sflag:$0x1] =	stream.indirect_vreg.gather [hbm4b:s4+s2], $0x80, v4, vm0, $0xb8;
	[tilespmem:$0x10500] =	vst v63  }
0x248: {  	s9 =	simm.s32 $0xD00  }
0x249: {  	[tilespmem:s9], [sflag:$0x1] =	stream.indirect_vreg.gather [hbm4b:s4+s2], $0x80, v3, vm0, $0xb8;
	[tilespmem:$0x10500] =	vst v63  }
0x24a: {  	v3 =	vld [tilespmem:$0x310];
	_ =	sdelay $0x4  }
0x24b: {  	v33 =	vshll.u32 v3, $0x1  }
0x24c: {  	v3 =	vand.u32 $0x7, v3;
	v4 =	vand.u32 $0xFFFFFFF0, v33  }
0x24d: {  	v3 =	vor.u32 v3, v4  }
0x24e: {  	v4 =	vperm.xlane v3, v0;
	_ =	sdelay $0x1  }
0x24f: {  	v3 =	vperm.xlane v3, v2;
	v4 =	vadd.s32 v1, v4;
	_ =	sdelay $0x1  }
0x250: {  	v3 =	vadd.s32 v1, v3;
	_ =	sdelay $0x1  }
0x251: {  	s10 =	simm.s32 $0x1500  }
0x252: {  	[tilespmem:s10], [sflag:$0x1] =	stream.indirect_vreg.gather [hbm4b:s4+s2], $0x80, v4, vm0, $0xb8;
	[tilespmem:$0x10500] =	vst v63  }
0x253: {  	s25 =	simm.s32 $0x1D00  }
0x254: {  	[tilespmem:s25], [sflag:$0x1] =	stream.indirect_vreg.gather [hbm4b:s4+s2], $0x80, v3, vm0, $0xb8;
	[tilespmem:$0x10500] =	vst v63  }
0x255: {  	v3 =	vld [tilespmem:$0x320];
	_ =	sdelay $0x4  }
0x256: {  	v34 =	vshll.u32 v3, $0x1  }
0x257: {  	v3 =	vand.u32 $0x7, v3;
	v4 =	vand.u32 $0xFFFFFFF0, v34  }
0x258: {  	v3 =	vor.u32 v3, v4  }
0x259: {  	v4 =	vperm.xlane v3, v0;
	_ =	sdelay $0x1  }
0x25a: {  	v3 =	vperm.xlane v3, v2;
	v4 =	vadd.s32 v1, v4;
	_ =	sdelay $0x1  }
0x25b: {  	v3 =	vadd.s32 v1, v3;
	_ =	sdelay $0x1  }
0x25c: {  	s16 =	simm.s32 $0x2500  }
0x25d: {  	[tilespmem:s16], [sflag:$0x1] =	stream.indirect_vreg.gather [hbm4b:s4+s2], $0x80, v4, vm0, $0xb8;
	[tilespmem:$0x10500] =	vst v63  }
0x25e: {  	s26 =	simm.s32 $0x2D00  }
0x25f: {  	[tilespmem:s26], [sflag:$0x1] =	stream.indirect_vreg.gather [hbm4b:s4+s2], $0x80, v3, vm0, $0xb8;
	[tilespmem:$0x10500] =	vst v63  }
0x260: {  	v3 =	vld [tilespmem:$0x330];
	_ =	sdelay $0x4  }
0x261: {  	v35 =	vshll.u32 v3, $0x1  }
0x262: {  	v3 =	vand.u32 $0x7, v3;
	v4 =	vand.u32 $0xFFFFFFF0, v35  }
0x263: {  	v3 =	vor.u32 v3, v4  }
0x264: {  	v4 =	vperm.xlane v3, v0;
	_ =	sdelay $0x1  }
0x265: {  	v3 =	vperm.xlane v3, v2;
	v4 =	vadd.s32 v1, v4;
	_ =	sdelay $0x1  }
0x266: {  	v3 =	vadd.s32 v1, v3;
	_ =	sdelay $0x1  }
0x267: {  	s21 =	simm.s32 $0x3500  }
0x268: {  	[tilespmem:s21], [sflag:$0x1] =	stream.indirect_vreg.gather [hbm4b:s4+s2], $0x80, v4, vm0, $0xb8;
	[tilespmem:$0x10500] =	vst v63  }
0x269: {  	s21 =	simm.s32 $0x3D00  }
0x26a: {  	[tilespmem:s21], [sflag:$0x1] =	stream.indirect_vreg.gather [hbm4b:s4+s2], $0x80, v3, vm0, $0xb8;
	[tilespmem:$0x10500] =	vst v63  }
0x26b: {  	v3 =	vld [tilespmem:$0x340];
	_ =	sdelay $0x4  }
0x26c: {  	v36 =	vshll.u32 v3, $0x1  }
0x26d: {  	v3 =	vand.u32 $0x7, v3;
	v4 =	vand.u32 $0xFFFFFFF0, v36  }
0x26e: {  	v3 =	vor.u32 v3, v4  }
0x26f: {  	v4 =	vperm.xlane v3, v0;
	_ =	sdelay $0x1  }
0x270: {  	v3 =	vperm.xlane v3, v2;
	v4 =	vadd.s32 v1, v4;
	_ =	sdelay $0x1  }
0x271: {  	v3 =	vadd.s32 v1, v3;
	_ =	sdelay $0x1  }
0x272: {  	s26 =	simm.s32 $0x4500  }
0x273: {  	[tilespmem:s26], [sflag:$0x1] =	stream.indirect_vreg.gather [hbm4b:s4+s2], $0x80, v4, vm0, $0xb8;
	[tilespmem:$0x10500] =	vst v63  }
0x274: {  	s22 =	simm.s32 $0x4D00  }
0x275: {  	[tilespmem:s22], [sflag:$0x1] =	stream.indirect_vreg.gather [hbm4b:s4+s2], $0x80, v3, vm0, $0xb8;
	[tilespmem:$0x10500] =	vst v63  }
0x276: {  	v3 =	vld [tilespmem:$0x350];
	_ =	sdelay $0x4  }
0x277: {  	v37 =	vshll.u32 v3, $0x1  }
0x278: {  	v3 =	vand.u32 $0x7, v3;
	v4 =	vand.u32 $0xFFFFFFF0, v37  }
0x279: {  	v3 =	vor.u32 v3, v4  }
0x27a: {  	v4 =	vperm.xlane v3, v0;
	_ =	sdelay $0x1  }
0x27b: {  	v3 =	vperm.xlane v3, v2;
	v4 =	vadd.s32 v1, v4;
	_ =	sdelay $0x1  }
0x27c: {  	v3 =	vadd.s32 v1, v3;
	_ =	sdelay $0x1  }
0x27d: {  	s28 =	simm.s32 $0x5500  }
0x27e: {  	[tilespmem:s28], [sflag:$0x1] =	stream.indirect_vreg.gather [hbm4b:s4+s2], $0x80, v4, vm0, $0xb8;
	[tilespmem:$0x10500] =	vst v63  }
0x27f: {  	s30 =	simm.s32 $0x5D00  }
0x280: {  	[tilespmem:s30], [sflag:$0x1] =	stream.indirect_vreg.gather [hbm4b:s4+s2], $0x80, v3, vm0, $0xb8;
	[tilespmem:$0x10500] =	vst v63  }
0x281: {  	v3 =	vld [tilespmem:$0x360];
	_ =	sdelay $0x4  }
0x282: {  	v38 =	vshll.u32 v3, $0x1  }
0x283: {  	v3 =	vand.u32 $0x7, v3;
	v4 =	vand.u32 $0xFFFFFFF0, v38  }
0x284: {  	v3 =	vor.u32 v3, v4  }
0x285: {  	v4 =	vperm.xlane v3, v0;
	_ =	sdelay $0x1  }
0x286: {  	v3 =	vperm.xlane v3, v2;
	v4 =	vadd.s32 v1, v4;
	_ =	sdelay $0x1  }
0x287: {  	v3 =	vadd.s32 v1, v3;
	_ =	sdelay $0x1  }
0x288: {  	s30 =	simm.s32 $0x6500  }
0x289: {  	[tilespmem:s30], [sflag:$0x1] =	stream.indirect_vreg.gather [hbm4b:s4+s2], $0x80, v4, vm0, $0xb8;
	[tilespmem:$0x10500] =	vst v63  }
0x28a: {  	s17 =	simm.s32 $0x6D00  }
0x28b: {  	[tilespmem:s17], [sflag:$0x1] =	stream.indirect_vreg.gather [hbm4b:s4+s2], $0x80, v3, vm0, $0xb8;
	[tilespmem:$0x10500] =	vst v63  }
0x28c: {  	v3 =	vld [tilespmem:$0x370];
	_ =	sdelay $0x4  }
0x28d: {  	v39 =	vshll.u32 v3, $0x1  }
0x28e: {  	v3 =	vand.u32 $0x7, v3;
	v4 =	vand.u32 $0xFFFFFFF0, v39  }
0x28f: {  	v3 =	vor.u32 v3, v4  }
0x290: {  	v4 =	vperm.xlane v3, v0;
	_ =	sdelay $0x1  }
0x291: {  	v3 =	vperm.xlane v3, v2;
	v4 =	vadd.s32 v1, v4;
	_ =	sdelay $0x1  }
0x292: {  	v3 =	vadd.s32 v1, v3;
	_ =	sdelay $0x1  }
0x293: {  	s16 =	simm.s32 $0x7500  }
0x294: {  	[tilespmem:s16], [sflag:$0x1] =	stream.indirect_vreg.gather [hbm4b:s4+s2], $0x80, v4, vm0, $0xb8;
	[tilespmem:$0x10500] =	vst v63  }
0x295: {  	s29 =	simm.s32 $0x7D00  }
0x296: {  	[tilespmem:s29], [sflag:$0x1] =	stream.indirect_vreg.gather [hbm4b:s4+s2], $0x80, v3, vm0, $0xb8;
	[tilespmem:$0x10500] =	vst v63  }
0x297: {  	_ =	swait.ge [sflag:s14], $0x8000  }
0x298: {  	[sflag:s14] =	ssyncset.done $0x0  }
0x299: {  	s17 =	rddreg [dreg:$0x8];
	[sflag:s14] =	ssyncadd.s32 $0xFFFF8000  }
0x29a: {  	[hbm4b:s17+s2] =	stream.linear.scatter [tilespmem:s23], [sflag:$0x4], $0x8000, $0x38;
	[tilespmem:$0x10500] =	vst v63  }
0x29b: {  	_ =	swait.ge [sflag:s15], $0x8000  }
0x29c: {  	[sflag:s15] =	ssyncset.done $0x0  }
0x29d: {  	[sflag:s15] =	ssyncadd.s32 $0xFFFF8000  }
0x29e: {  	v3 =	vld [tilespmem:$0x380];
	_ =	sdelay $0x4  }
0x29f: {  	v40 =	vshll.u32 v3, $0x1  }
0x2a0: {  	v3 =	vand.u32 $0x7, v3;
	v4 =	vand.u32 $0xFFFFFFF0, v40  }
0x2a1: {  	v3 =	vor.u32 v3, v4  }
0x2a2: {  	v4 =	vperm.xlane v3, v0;
	_ =	sdelay $0x1  }
0x2a3: {  	v3 =	vperm.xlane v3, v2;
	v4 =	vadd.s32 v1, v4;
	_ =	sdelay $0x1  }
0x2a4: {  	v3 =	vadd.s32 v1, v3;
	_ =	sdelay $0x2  }
0x2a5: {  	[tilespmem:s23], [sflag:$0x2] =	stream.indirect_vreg.gather [hbm4b:s4+s2], $0x80, v4, vm0, $0xb8;
	[tilespmem:$0x10500] =	vst v63  }
0x2a6: {  	s29 =	simm.s32 $0x8D00  }
0x2a7: {  	[tilespmem:s29], [sflag:$0x2] =	stream.indirect_vreg.gather [hbm4b:s4+s2], $0x80, v3, vm0, $0xb8;
	[tilespmem:$0x10500] =	vst v63  }
0x2a8: {  	v3 =	vld [tilespmem:$0x390];
	_ =	sdelay $0x4  }
0x2a9: {  	v41 =	vshll.u32 v3, $0x1  }
0x2aa: {  	v3 =	vand.u32 $0x7, v3;
	v4 =	vand.u32 $0xFFFFFFF0, v41  }
0x2ab: {  	v3 =	vor.u32 v3, v4  }
0x2ac: {  	v4 =	vperm.xlane v3, v0;
	_ =	sdelay $0x1  }
0x2ad: {  	v3 =	vperm.xlane v3, v2;
	v4 =	vadd.s32 v1, v4;
	_ =	sdelay $0x1  }
0x2ae: {  	v3 =	vadd.s32 v1, v3;
	_ =	sdelay $0x1  }
0x2af: {  	s24 =	simm.s32 $0x9500  }
0x2b0: {  	[tilespmem:s24], [sflag:$0x2] =	stream.indirect_vreg.gather [hbm4b:s4+s2], $0x80, v4, vm0, $0xb8;
	[tilespmem:$0x10500] =	vst v63  }
0x2b1: {  	s0 =	simm.s32 $0x9D00  }
0x2b2: {  	[tilespmem:s0], [sflag:$0x2] =	stream.indirect_vreg.gather [hbm4b:s4+s2], $0x80, v3, vm0, $0xb8;
	[tilespmem:$0x10500] =	vst v63  }
0x2b3: {  	v3 =	vld [tilespmem:$0x3A0];
	_ =	sdelay $0x4  }
0x2b4: {  	v42 =	vshll.u32 v3, $0x1  }
0x2b5: {  	v3 =	vand.u32 $0x7, v3;
	v4 =	vand.u32 $0xFFFFFFF0, v42  }
0x2b6: {  	v3 =	vor.u32 v3, v4  }
0x2b7: {  	v4 =	vperm.xlane v3, v0;
	_ =	sdelay $0x1  }
0x2b8: {  	v3 =	vperm.xlane v3, v2;
	v4 =	vadd.s32 v1, v4;
	_ =	sdelay $0x1  }
0x2b9: {  	v3 =	vadd.s32 v1, v3;
	_ =	sdelay $0x1  }
0x2ba: {  	s1 =	simm.s32 $0xA500  }
0x2bb: {  	[tilespmem:s1], [sflag:$0x2] =	stream.indirect_vreg.gather [hbm4b:s4+s2], $0x80, v4, vm0, $0xb8;
	[tilespmem:$0x10500] =	vst v63  }
0x2bc: {  	s3 =	simm.s32 $0xAD00  }
0x2bd: {  	[tilespmem:s3], [sflag:$0x2] =	stream.indirect_vreg.gather [hbm4b:s4+s2], $0x80, v3, vm0, $0xb8;
	[tilespmem:$0x10500] =	vst v63  }
0x2be: {  	v3 =	vld [tilespmem:$0x3B0];
	_ =	sdelay $0x4  }
0x2bf: {  	v43 =	vshll.u32 v3, $0x1  }
0x2c0: {  	v3 =	vand.u32 $0x7, v3;
	v4 =	vand.u32 $0xFFFFFFF0, v43  }
0x2c1: {  	v3 =	vor.u32 v3, v4  }
0x2c2: {  	v4 =	vperm.xlane v3, v0;
	_ =	sdelay $0x1  }
0x2c3: {  	v3 =	vperm.xlane v3, v2;
	v4 =	vadd.s32 v1, v4;
	_ =	sdelay $0x1  }
0x2c4: {  	v3 =	vadd.s32 v1, v3;
	_ =	sdelay $0x1  }
0x2c5: {  	s20 =	simm.s32 $0xB500  }
0x2c6: {  	[tilespmem:s20], [sflag:$0x2] =	stream.indirect_vreg.gather [hbm4b:s4+s2], $0x80, v4, vm0, $0xb8;
	[tilespmem:$0x10500] =	vst v63  }
0x2c7: {  	s31 =	simm.s32 $0xBD00  }
0x2c8: {  	[tilespmem:s31], [sflag:$0x2] =	stream.indirect_vreg.gather [hbm4b:s4+s2], $0x80, v3, vm0, $0xb8;
	[tilespmem:$0x10500] =	vst v63  }
0x2c9: {  	v3 =	vld [tilespmem:$0x3C0];
	_ =	sdelay $0x4  }
0x2ca: {  	v44 =	vshll.u32 v3, $0x1  }
0x2cb: {  	v3 =	vand.u32 $0x7, v3;
	v4 =	vand.u32 $0xFFFFFFF0, v44  }
0x2cc: {  	v3 =	vor.u32 v3, v4  }
0x2cd: {  	v4 =	vperm.xlane v3, v0;
	_ =	sdelay $0x1  }
0x2ce: {  	v3 =	vperm.xlane v3, v2;
	v4 =	vadd.s32 v1, v4;
	_ =	sdelay $0x1  }
0x2cf: {  	v3 =	vadd.s32 v1, v3;
	_ =	sdelay $0x1  }
0x2d0: {  	s7 =	simm.s32 $0xC500  }
0x2d1: {  	[tilespmem:s7], [sflag:$0x2] =	stream.indirect_vreg.gather [hbm4b:s4+s2], $0x80, v4, vm0, $0xb8;
	[tilespmem:$0x10500] =	vst v63  }
0x2d2: {  	s31 =	simm.s32 $0xCD00  }
0x2d3: {  	[tilespmem:s31], [sflag:$0x2] =	stream.indirect_vreg.gather [hbm4b:s4+s2], $0x80, v3, vm0, $0xb8;
	[tilespmem:$0x10500] =	vst v63  }
0x2d4: {  	v3 =	vld [tilespmem:$0x3D0];
	_ =	sdelay $0x4  }
0x2d5: {  	v45 =	vshll.u32 v3, $0x1  }
0x2d6: {  	v3 =	vand.u32 $0x7, v3;
	v4 =	vand.u32 $0xFFFFFFF0, v45  }
0x2d7: {  	v3 =	vor.u32 v3, v4  }
0x2d8: {  	v4 =	vperm.xlane v3, v0;
	_ =	sdelay $0x1  }
0x2d9: {  	v3 =	vperm.xlane v3, v2;
	v4 =	vadd.s32 v1, v4;
	_ =	sdelay $0x1  }
0x2da: {  	v3 =	vadd.s32 v1, v3;
	_ =	sdelay $0x1  }
0x2db: {  	s11 =	simm.s32 $0xD500  }
0x2dc: {  	[tilespmem:s11], [sflag:$0x2] =	stream.indirect_vreg.gather [hbm4b:s4+s2], $0x80, v4, vm0, $0xb8;
	[tilespmem:$0x10500] =	vst v63  }
0x2dd: {  	s16 =	simm.s32 $0xDD00  }
0x2de: {  	[tilespmem:s16], [sflag:$0x2] =	stream.indirect_vreg.gather [hbm4b:s4+s2], $0x80, v3, vm0, $0xb8;
	[tilespmem:$0x10500] =	vst v63  }
0x2df: {  	v3 =	vld [tilespmem:$0x3E0];
	_ =	sdelay $0x4  }
0x2e0: {  	v46 =	vshll.u32 v3, $0x1  }
0x2e1: {  	v3 =	vand.u32 $0x7, v3;
	v4 =	vand.u32 $0xFFFFFFF0, v46  }
0x2e2: {  	v3 =	vor.u32 v3, v4  }
0x2e3: {  	v4 =	vperm.xlane v3, v0;
	_ =	sdelay $0x1  }
0x2e4: {  	v3 =	vperm.xlane v3, v2;
	v4 =	vadd.s32 v1, v4;
	_ =	sdelay $0x1  }
0x2e5: {  	v3 =	vadd.s32 v1, v3;
	_ =	sdelay $0x1  }
0x2e6: {  	s19 =	simm.s32 $0xE500  }
0x2e7: {  	[tilespmem:s19], [sflag:$0x2] =	stream.indirect_vreg.gather [hbm4b:s4+s2], $0x80, v4, vm0, $0xb8;
	[tilespmem:$0x10500] =	vst v63  }
0x2e8: {  	s19 =	simm.s32 $0xED00  }
0x2e9: {  	[tilespmem:s19], [sflag:$0x2] =	stream.indirect_vreg.gather [hbm4b:s4+s2], $0x80, v3, vm0, $0xb8;
	[tilespmem:$0x10500] =	vst v63  }
0x2ea: {  	v3 =	vld [tilespmem:$0x3F0];
	_ =	sdelay $0x4  }
0x2eb: {  	v47 =	vshll.u32 v3, $0x1  }
0x2ec: {  	v3 =	vand.u32 $0x7, v3;
	v4 =	vand.u32 $0xFFFFFFF0, v47  }
0x2ed: {  	v3 =	vor.u32 v3, v4  }
0x2ee: {  	v4 =	vperm.xlane v3, v0;
	_ =	sdelay $0x1  }
0x2ef: {  	v3 =	vperm.xlane v3, v2;
	v4 =	vadd.s32 v1, v4;
	_ =	sdelay $0x1  }
0x2f0: {  	v3 =	vadd.s32 v1, v3;
	_ =	sdelay $0x1  }
0x2f1: {  	s8 =	simm.s32 $0xF500  }
0x2f2: {  	[tilespmem:s8], [sflag:$0x2] =	stream.indirect_vreg.gather [hbm4b:s4+s2], $0x80, v4, vm0, $0xb8;
	[tilespmem:$0x10500] =	vst v63  }
0x2f3: {  	s16 =	simm.s32 $0xFD00  }
0x2f4: {  	[tilespmem:s16], [sflag:$0x2] =	stream.indirect_vreg.gather [hbm4b:s4+s2], $0x80, v3, vm0, $0xb8;
	[tilespmem:$0x10500] =	vst v63  }
0x2f5: {  	_ =	swait.ge [sflag:s12], $0x8000  }
0x2f6: {  	[sflag:s12] =	ssyncset.done $0x0  }
0x2f7: {  	s16 =	rddreg [dreg:$0x9];
	[sflag:s12] =	ssyncadd.s32 $0xFFFF8000  }
0x2f8: {  	[hbm4b:s16+s2] =	stream.linear.scatter [tilespmem:s18], [sflag:$0x3], $0x8000, $0x38;
	[tilespmem:$0x10500] =	vst v63  }
0x2f9: {  	_ =	swait.ge [sflag:s13], $0x8000  }
0x2fa: {  	[sflag:s13] =	ssyncset.done $0x0  }
0x2fb: {  	[sflag:s13] =	ssyncadd.s32 $0xFFFF8000  }
0x2fc: {  	v3 =	vld [tilespmem:$0x400];
	_ =	sdelay $0x4  }
0x2fd: {  	v48 =	vshll.u32 v3, $0x1  }
0x2fe: {  	v3 =	vand.u32 $0x7, v3;
	v4 =	vand.u32 $0xFFFFFFF0, v48  }
0x2ff: {  	v3 =	vor.u32 v3, v4  }
0x300: {  	v4 =	vperm.xlane v3, v0;
	_ =	sdelay $0x1  }
0x301: {  	v3 =	vperm.xlane v3, v2;
	v4 =	vadd.s32 v1, v4;
	_ =	sdelay $0x1  }
0x302: {  	v3 =	vadd.s32 v1, v3;
	_ =	sdelay $0x2  }
0x303: {  	[tilespmem:s18], [sflag:$0x1] =	stream.indirect_vreg.gather [hbm4b:s4+s2], $0x80, v4, vm0, $0xb8;
	[tilespmem:$0x10500] =	vst v63  }
0x304: {  	s16 =	simm.s32 $0xD00  }
0x305: {  	[tilespmem:s16], [sflag:$0x1] =	stream.indirect_vreg.gather [hbm4b:s4+s2], $0x80, v3, vm0, $0xb8;
	[tilespmem:$0x10500] =	vst v63  }
0x306: {  	v3 =	vld [tilespmem:$0x410];
	_ =	sdelay $0x4  }
0x307: {  	v49 =	vshll.u32 v3, $0x1  }
0x308: {  	v3 =	vand.u32 $0x7, v3;
	v4 =	vand.u32 $0xFFFFFFF0, v49  }
0x309: {  	v3 =	vor.u32 v3, v4  }
0x30a: {  	v4 =	vperm.xlane v3, v0;
	_ =	sdelay $0x1  }
0x30b: {  	v3 =	vperm.xlane v3, v2;
	v4 =	vadd.s32 v1, v4;
	_ =	sdelay $0x1  }
0x30c: {  	v3 =	vadd.s32 v1, v3;
	_ =	sdelay $0x1  }
0x30d: {  	s16 =	simm.s32 $0x1500  }
0x30e: {  	[tilespmem:s16], [sflag:$0x1] =	stream.indirect_vreg.gather [hbm4b:s4+s2], $0x80, v4, vm0, $0xb8;
	[tilespmem:$0x10500] =	vst v63  }
0x30f: {  	s6 =	simm.s32 $0x1D00  }
0x310: {  	[tilespmem:s6], [sflag:$0x1] =	stream.indirect_vreg.gather [hbm4b:s4+s2], $0x80, v3, vm0, $0xb8;
	[tilespmem:$0x10500] =	vst v63  }
0x311: {  	v3 =	vld [tilespmem:$0x420];
	_ =	sdelay $0x4  }
0x312: {  	v50 =	vshll.u32 v3, $0x1  }
0x313: {  	v3 =	vand.u32 $0x7, v3;
	v4 =	vand.u32 $0xFFFFFFF0, v50  }
0x314: {  	v3 =	vor.u32 v3, v4  }
0x315: {  	v4 =	vperm.xlane v3, v0;
	_ =	sdelay $0x1  }
0x316: {  	v3 =	vperm.xlane v3, v2;
	v4 =	vadd.s32 v1, v4;
	_ =	sdelay $0x1  }
0x317: {  	v3 =	vadd.s32 v1, v3;
	_ =	sdelay $0x1  }
0x318: {  	s16 =	simm.s32 $0x2500  }
0x319: {  	[tilespmem:s16], [sflag:$0x1] =	stream.indirect_vreg.gather [hbm4b:s4+s2], $0x80, v4, vm0, $0xb8;
	[tilespmem:$0x10500] =	vst v63  }
0x31a: {  	s25 =	simm.s32 $0x2D00  }
0x31b: {  	[tilespmem:s25], [sflag:$0x1] =	stream.indirect_vreg.gather [hbm4b:s4+s2], $0x80, v3, vm0, $0xb8;
	[tilespmem:$0x10500] =	vst v63  }
0x31c: {  	v3 =	vld [tilespmem:$0x430];
	_ =	sdelay $0x4  }
0x31d: {  	v51 =	vshll.u32 v3, $0x1  }
0x31e: {  	v3 =	vand.u32 $0x7, v3;
	v4 =	vand.u32 $0xFFFFFFF0, v51  }
0x31f: {  	v3 =	vor.u32 v3, v4  }
0x320: {  	v4 =	vperm.xlane v3, v0;
	_ =	sdelay $0x1  }
0x321: {  	v3 =	vperm.xlane v3, v2;
	v4 =	vadd.s32 v1, v4;
	_ =	sdelay $0x1  }
0x322: {  	v3 =	vadd.s32 v1, v3;
	_ =	sdelay $0x1  }
0x323: {  	s10 =	simm.s32 $0x3500  }
0x324: {  	[tilespmem:s10], [sflag:$0x1] =	stream.indirect_vreg.gather [hbm4b:s4+s2], $0x80, v4, vm0, $0xb8;
	[tilespmem:$0x10500] =	vst v63  }
0x325: {  	s10 =	simm.s32 $0x3D00  }
0x326: {  	[tilespmem:s10], [sflag:$0x1] =	stream.indirect_vreg.gather [hbm4b:s4+s2], $0x80, v3, vm0, $0xb8;
	[tilespmem:$0x10500] =	vst v63  }
0x327: {  	v3 =	vld [tilespmem:$0x440];
	_ =	sdelay $0x4  }
0x328: {  	v52 =	vshll.u32 v3, $0x1  }
0x329: {  	v3 =	vand.u32 $0x7, v3;
	v4 =	vand.u32 $0xFFFFFFF0, v52  }
0x32a: {  	v3 =	vor.u32 v3, v4  }
0x32b: {  	v4 =	vperm.xlane v3, v0;
	_ =	sdelay $0x1  }
0x32c: {  	v3 =	vperm.xlane v3, v2;
	v4 =	vadd.s32 v1, v4;
	_ =	sdelay $0x1  }
0x32d: {  	v3 =	vadd.s32 v1, v3;
	_ =	sdelay $0x1  }
0x32e: {  	s16 =	simm.s32 $0x4500  }
0x32f: {  	[tilespmem:s16], [sflag:$0x1] =	stream.indirect_vreg.gather [hbm4b:s4+s2], $0x80, v4, vm0, $0xb8;
	[tilespmem:$0x10500] =	vst v63  }
0x330: {  	s21 =	simm.s32 $0x4D00  }
0x331: {  	[tilespmem:s21], [sflag:$0x1] =	stream.indirect_vreg.gather [hbm4b:s4+s2], $0x80, v3, vm0, $0xb8;
	[tilespmem:$0x10500] =	vst v63  }
0x332: {  	v3 =	vld [tilespmem:$0x450];
	_ =	sdelay $0x4  }
0x333: {  	v53 =	vshll.u32 v3, $0x1  }
0x334: {  	v3 =	vand.u32 $0x7, v3;
	v4 =	vand.u32 $0xFFFFFFF0, v53  }
0x335: {  	v3 =	vor.u32 v3, v4  }
0x336: {  	v4 =	vperm.xlane v3, v0;
	_ =	sdelay $0x1  }
0x337: {  	v3 =	vperm.xlane v3, v2;
	v4 =	vadd.s32 v1, v4;
	_ =	sdelay $0x1  }
0x338: {  	v3 =	vadd.s32 v1, v3;
	_ =	sdelay $0x1  }
0x339: {  	s22 =	simm.s32 $0x5500  }
0x33a: {  	[tilespmem:s22], [sflag:$0x1] =	stream.indirect_vreg.gather [hbm4b:s4+s2], $0x80, v4, vm0, $0xb8;
	[tilespmem:$0x10500] =	vst v63  }
0x33b: {  	s26 =	simm.s32 $0x5D00  }
0x33c: {  	[tilespmem:s26], [sflag:$0x1] =	stream.indirect_vreg.gather [hbm4b:s4+s2], $0x80, v3, vm0, $0xb8;
	[tilespmem:$0x10500] =	vst v63  }
0x33d: {  	v3 =	vld [tilespmem:$0x460];
	_ =	sdelay $0x4  }
0x33e: {  	v54 =	vshll.u32 v3, $0x1  }
0x33f: {  	v3 =	vand.u32 $0x7, v3;
	v4 =	vand.u32 $0xFFFFFFF0, v54  }
0x340: {  	v3 =	vor.u32 v3, v4  }
0x341: {  	v4 =	vperm.xlane v3, v0;
	_ =	sdelay $0x1  }
0x342: {  	v3 =	vperm.xlane v3, v2;
	v4 =	vadd.s32 v1, v4;
	_ =	sdelay $0x1  }
0x343: {  	v3 =	vadd.s32 v1, v3;
	_ =	sdelay $0x1  }
0x344: {  	s22 =	simm.s32 $0x6500  }
0x345: {  	[tilespmem:s22], [sflag:$0x1] =	stream.indirect_vreg.gather [hbm4b:s4+s2], $0x80, v4, vm0, $0xb8;
	[tilespmem:$0x10500] =	vst v63  }
0x346: {  	s28 =	simm.s32 $0x6D00  }
0x347: {  	[tilespmem:s28], [sflag:$0x1] =	stream.indirect_vreg.gather [hbm4b:s4+s2], $0x80, v3, vm0, $0xb8;
	[tilespmem:$0x10500] =	vst v63  }
0x348: {  	v3 =	vld [tilespmem:$0x470];
	_ =	sdelay $0x4  }
0x349: {  	v55 =	vshll.u32 v3, $0x1  }
0x34a: {  	v3 =	vand.u32 $0x7, v3;
	v4 =	vand.u32 $0xFFFFFFF0, v55  }
0x34b: {  	v3 =	vor.u32 v3, v4  }
0x34c: {  	v4 =	vperm.xlane v3, v0;
	_ =	sdelay $0x1  }
0x34d: {  	v3 =	vperm.xlane v3, v2;
	v4 =	vadd.s32 v1, v4;
	_ =	sdelay $0x1  }
0x34e: {  	v3 =	vadd.s32 v1, v3;
	_ =	sdelay $0x1  }
0x34f: {  	s25 =	simm.s32 $0x7500  }
0x350: {  	[tilespmem:s25], [sflag:$0x1] =	stream.indirect_vreg.gather [hbm4b:s4+s2], $0x80, v4, vm0, $0xb8;
	[tilespmem:$0x10500] =	vst v63  }
0x351: {  	s30 =	simm.s32 $0x7D00  }
0x352: {  	[tilespmem:s30], [sflag:$0x1] =	stream.indirect_vreg.gather [hbm4b:s4+s2], $0x80, v3, vm0, $0xb8;
	[tilespmem:$0x10500] =	vst v63  }
0x353: {  	_ =	swait.ge [sflag:s14], $0x8000  }
0x354: {  	[sflag:s14] =	ssyncset.done $0x0  }
0x355: {  	s26 =	rddreg [dreg:$0xa];
	[sflag:s14] =	ssyncadd.s32 $0xFFFF8000  }
0x356: {  	[hbm4b:s26+s2] =	stream.linear.scatter [tilespmem:s23], [sflag:$0x4], $0x8000, $0x38;
	[tilespmem:$0x10500] =	vst v63  }
0x357: {  	_ =	swait.ge [sflag:s15], $0x8000  }
0x358: {  	[sflag:s15] =	ssyncset.done $0x0  }
0x359: {  	[sflag:s15] =	ssyncadd.s32 $0xFFFF8000  }
0x35a: {  	v3 =	vld [tilespmem:$0x480];
	_ =	sdelay $0x4  }
0x35b: {  	v56 =	vshll.u32 v3, $0x1  }
0x35c: {  	v3 =	vand.u32 $0x7, v3;
	v4 =	vand.u32 $0xFFFFFFF0, v56  }
0x35d: {  	v3 =	vor.u32 v3, v4  }
0x35e: {  	v4 =	vperm.xlane v3, v0;
	_ =	sdelay $0x1  }
0x35f: {  	v3 =	vperm.xlane v3, v2;
	v4 =	vadd.s32 v1, v4;
	_ =	sdelay $0x1  }
0x360: {  	v3 =	vadd.s32 v1, v3;
	_ =	sdelay $0x2  }
0x361: {  	[tilespmem:s23], [sflag:$0x2] =	stream.indirect_vreg.gather [hbm4b:s4+s2], $0x80, v4, vm0, $0xb8;
	[tilespmem:$0x10500] =	vst v63  }
0x362: {  	s28 =	simm.s32 $0x8D00  }
0x363: {  	[tilespmem:s28], [sflag:$0x2] =	stream.indirect_vreg.gather [hbm4b:s4+s2], $0x80, v3, vm0, $0xb8;
	[tilespmem:$0x10500] =	vst v63  }
0x364: {  	v3 =	vld [tilespmem:$0x490];
	_ =	sdelay $0x4  }
0x365: {  	v57 =	vshll.u32 v3, $0x1  }
0x366: {  	v3 =	vand.u32 $0x7, v3;
	v4 =	vand.u32 $0xFFFFFFF0, v57  }
0x367: {  	v3 =	vor.u32 v3, v4  }
0x368: {  	v4 =	vperm.xlane v3, v0;
	_ =	sdelay $0x1  }
0x369: {  	v3 =	vperm.xlane v3, v2;
	v4 =	vadd.s32 v1, v4;
	_ =	sdelay $0x1  }
0x36a: {  	v3 =	vadd.s32 v1, v3;
	_ =	sdelay $0x1  }
0x36b: {  	s17 =	simm.s32 $0x9500  }
0x36c: {  	[tilespmem:s17], [sflag:$0x2] =	stream.indirect_vreg.gather [hbm4b:s4+s2], $0x80, v4, vm0, $0xb8;
	[tilespmem:$0x10500] =	vst v63  }
0x36d: {  	s9 =	simm.s32 $0x9D00  }
0x36e: {  	[tilespmem:s9], [sflag:$0x2] =	stream.indirect_vreg.gather [hbm4b:s4+s2], $0x80, v3, vm0, $0xb8;
	[tilespmem:$0x10500] =	vst v63  }
0x36f: {  	v3 =	vld [tilespmem:$0x4A0];
	_ =	sdelay $0x4  }
0x370: {  	v58 =	vshll.u32 v3, $0x1  }
0x371: {  	v3 =	vand.u32 $0x7, v3;
	v4 =	vand.u32 $0xFFFFFFF0, v58  }
0x372: {  	v3 =	vor.u32 v3, v4  }
0x373: {  	v4 =	vperm.xlane v3, v0;
	_ =	sdelay $0x1  }
0x374: {  	v3 =	vperm.xlane v3, v2;
	v4 =	vadd.s32 v1, v4;
	_ =	sdelay $0x1  }
0x375: {  	v3 =	vadd.s32 v1, v3;
	_ =	sdelay $0x1  }
0x376: {  	s0 =	simm.s32 $0xA500  }
0x377: {  	[tilespmem:s0], [sflag:$0x2] =	stream.indirect_vreg.gather [hbm4b:s4+s2], $0x80, v4, vm0, $0xb8;
	[tilespmem:$0x10500] =	vst v63  }
0x378: {  	s1 =	simm.s32 $0xAD00  }
0x379: {  	[tilespmem:s1], [sflag:$0x2] =	stream.indirect_vreg.gather [hbm4b:s4+s2], $0x80, v3, vm0, $0xb8;
	[tilespmem:$0x10500] =	vst v63  }
0x37a: {  	v3 =	vld [tilespmem:$0x4B0];
	_ =	sdelay $0x4  }
0x37b: {  	v59 =	vshll.u32 v3, $0x1  }
0x37c: {  	v3 =	vand.u32 $0x7, v3;
	v4 =	vand.u32 $0xFFFFFFF0, v59  }
0x37d: {  	v3 =	vor.u32 v3, v4  }
0x37e: {  	v4 =	vperm.xlane v3, v0;
	_ =	sdelay $0x1  }
0x37f: {  	v3 =	vperm.xlane v3, v2;
	v4 =	vadd.s32 v1, v4;
	_ =	sdelay $0x1  }
0x380: {  	v3 =	vadd.s32 v1, v3;
	_ =	sdelay $0x1  }
0x381: {  	s29 =	simm.s32 $0xB500  }
0x382: {  	[tilespmem:s29], [sflag:$0x2] =	stream.indirect_vreg.gather [hbm4b:s4+s2], $0x80, v4, vm0, $0xb8;
	[tilespmem:$0x10500] =	vst v63  }
0x383: {  	s20 =	simm.s32 $0xBD00  }
0x384: {  	[tilespmem:s20], [sflag:$0x2] =	stream.indirect_vreg.gather [hbm4b:s4+s2], $0x80, v3, vm0, $0xb8;
	[tilespmem:$0x10500] =	vst v63  }
0x385: {  	v3 =	vld [tilespmem:$0x4C0];
	_ =	sdelay $0x4  }
0x386: {  	v60 =	vshll.u32 v3, $0x1  }
0x387: {  	v3 =	vand.u32 $0x7, v3;
	v4 =	vand.u32 $0xFFFFFFF0, v60  }
0x388: {  	v3 =	vor.u32 v3, v4  }
0x389: {  	v4 =	vperm.xlane v3, v0;
	_ =	sdelay $0x1  }
0x38a: {  	v3 =	vperm.xlane v3, v2;
	v4 =	vadd.s32 v1, v4;
	_ =	sdelay $0x1  }
0x38b: {  	v3 =	vadd.s32 v1, v3;
	_ =	sdelay $0x1  }
0x38c: {  	s3 =	simm.s32 $0xC500  }
0x38d: {  	[tilespmem:s3], [sflag:$0x2] =	stream.indirect_vreg.gather [hbm4b:s4+s2], $0x80, v4, vm0, $0xb8;
	[tilespmem:$0x10500] =	vst v63  }
0x38e: {  	s31 =	simm.s32 $0xCD00  }
0x38f: {  	[tilespmem:s31], [sflag:$0x2] =	stream.indirect_vreg.gather [hbm4b:s4+s2], $0x80, v3, vm0, $0xb8;
	[tilespmem:$0x10500] =	vst v63  }
0x390: {  	v3 =	vld [tilespmem:$0x4D0];
	_ =	sdelay $0x4  }
0x391: {  	v61 =	vshll.u32 v3, $0x1  }
0x392: {  	v3 =	vand.u32 $0x7, v3;
	v4 =	vand.u32 $0xFFFFFFF0, v61  }
0x393: {  	v3 =	vor.u32 v3, v4  }
0x394: {  	v4 =	vperm.xlane v3, v0;
	_ =	sdelay $0x1  }
0x395: {  	v3 =	vperm.xlane v3, v2;
	v4 =	vadd.s32 v1, v4;
	_ =	sdelay $0x1  }
0x396: {  	v3 =	vadd.s32 v1, v3;
	_ =	sdelay $0x1  }
0x397: {  	s7 =	simm.s32 $0xD500  }
0x398: {  	[tilespmem:s7], [sflag:$0x2] =	stream.indirect_vreg.gather [hbm4b:s4+s2], $0x80, v4, vm0, $0xb8;
	[tilespmem:$0x10500] =	vst v63  }
0x399: {  	s29 =	simm.s32 $0xDD00  }
0x39a: {  	[tilespmem:s29], [sflag:$0x2] =	stream.indirect_vreg.gather [hbm4b:s4+s2], $0x80, v3, vm0, $0xb8;
	[tilespmem:$0x10500] =	vst v63  }
0x39b: {  	v3 =	vld [tilespmem:$0x4E0];
	_ =	sdelay $0x4  }
0x39c: {  	v62 =	vshll.u32 v3, $0x1  }
0x39d: {  	v3 =	vand.u32 $0x7, v3;
	v4 =	vand.u32 $0xFFFFFFF0, v62  }
0x39e: {  	v3 =	vor.u32 v3, v4  }
0x39f: {  	v4 =	vperm.xlane v3, v0;
	_ =	sdelay $0x1  }
0x3a0: {  	v3 =	vperm.xlane v3, v2;
	v4 =	vadd.s32 v1, v4;
	_ =	sdelay $0x1  }
0x3a1: {  	v3 =	vadd.s32 v1, v3;
	_ =	sdelay $0x1  }
0x3a2: {  	s24 =	simm.s32 $0xE500  }
0x3a3: {  	[tilespmem:s24], [sflag:$0x2] =	stream.indirect_vreg.gather [hbm4b:s4+s2], $0x80, v4, vm0, $0xb8;
	[tilespmem:$0x10500] =	vst v63  }
0x3a4: {  	s19 =	simm.s32 $0xED00  }
0x3a5: {  	[tilespmem:s19], [sflag:$0x2] =	stream.indirect_vreg.gather [hbm4b:s4+s2], $0x80, v3, vm0, $0xb8;
	[tilespmem:$0x10500] =	vst v63  }
0x3a6: {  	v3 =	vld [tilespmem:$0x4F0];
	_ =	sdelay $0x4  }
0x3a7: {  	v63 =	vshll.u32 v3, $0x1  }
0x3a8: {  	v3 =	vand.u32 $0x7, v3;
	v4 =	vand.u32 $0xFFFFFFF0, v63  }
0x3a9: {  	v3 =	vor.u32 v3, v4  }
0x3aa: {  	v4 =	vperm.xlane v3, v0;
	_ =	sdelay $0x1  }
0x3ab: {  	v3 =	vperm.xlane v3, v2;
	v4 =	vadd.s32 v1, v4;
	_ =	sdelay $0x1  }
0x3ac: {  	v3 =	vadd.s32 v1, v3;
	_ =	sdelay $0x1  }
0x3ad: {  	s11 =	simm.s32 $0xF500  }
0x3ae: {  	[tilespmem:s11], [sflag:$0x2] =	stream.indirect_vreg.gather [hbm4b:s4+s2], $0x80, v4, vm0, $0xb8;
	[tilespmem:$0x10500] =	vst v63  }
0x3af: {  	s8 =	simm.s32 $0xFD00  }
0x3b0: {  	[tilespmem:s8], [sflag:$0x2] =	stream.indirect_vreg.gather [hbm4b:s4+s2], $0x80, v3, vm0, $0xb8;
	[tilespmem:$0x10500] =	vst v63  }
0x3b1: {  	_ =	swait.ge [sflag:s12], $0x8000  }
0x3b2: {  	[sflag:s12] =	ssyncset.done $0x0  }
0x3b3: {  	s30 =	rddreg [dreg:$0xb];
	[sflag:s12] =	ssyncadd.s32 $0xFFFF8000  }
0x3b4: {  	[hbm4b:s30+s2] =	stream.linear.scatter [tilespmem:s18], [sflag:$0x3], $0x8000, $0x38;
	[tilespmem:$0x10500] =	vst v63  }
0x3b5: {  	_ =	swait.ge [sflag:s14], $0x8000  }
0x3b6: {  	[sflag:s14] =	ssyncset.done $0x0  }
0x3b7: {  	s31 =	rddreg [dreg:$0xc];
	[sflag:s14] =	ssyncadd.s32 $0xFFFF8000  }
0x3b8: {  	[hbm4b:s31+s2] =	stream.linear.scatter [tilespmem:s23], [sflag:$0x4], $0x8000, $0x38;
	[tilespmem:$0x10500] =	vst v63  }
0x3b9: {  	p0 =	sne.s32 s5, $0x1;
	_ =	swait.ge [sflag:s13], $0x8000  }
.Ltmp0:
0x3ba: {  	[sflag:s13] =	ssyncset.done $0x0;
	(pc) =	sbr.rel @p0 .LBB2_1-.Ltmp0, $4  }
0x3bb: {  	[sflag:s13] =	ssyncadd.s32 $0xFFFF8000  }
0x3bc: {  	_ =	swait.ge [sflag:s15], $0x8000  }
0x3bd: {  	[sflag:s15] =	ssyncset.done $0x0  }
0x3be: {  	s5 =	sadd.s32 $0xFFFFFFFF, s5;
	[sflag:s15] =	ssyncadd.s32 $0xFFFF8000  }
0x3bf: {  	_ =	sfence.sel $0x180000  }
0x3c0: {  	[bflag:$0x0] =	sbarrier.arrive $0xFFFF  }
0x3c1: {  	_ =	strace $0x90000047  }
0x3c2: {  	s0 =	stileid.u32;
	[bflag:$0x2] =	sbarrier.arrive $0xFFFF  }
0x3c3: {  	p0 =	sne.s32 s0, $0x0;
	s0 =	rddreg [dreg:$0x2]  }
0x3c4: {  	s0 =	sadd.s32 @!p0 $0x100000, s0  }
0x3c5: {  	[sflag:s0] =	ssyncadd.tile.s32 @!p0 $0x1;
	_ =	shalt  }
.Lfunc_end2:
_tile_overlayer_lowered:
.L_overlay_start_2:
0x3c6: {  	(tag) =	ssettag $0x2  }
0x3c7: {  	s0 =	rddreg [dreg:$0x0];
	s2 =	stileid.u32  }
0x3c8: {  	s1 =	rddreg [dreg:$0x1];
	p0 =	sne.s32 s2, $0x0  }
0x3c9: {  	s3 =	rddreg [dreg:$0x2];
	[bflag:$0x3] =	sbarrier.arrive $0xFFFF;
	s2 =	simm.s32 @!p0 $0x1C05  }
0x3ca: {  	[timem:s3], [sflag:s2] =	dma.local @!p0 [hbm:s0], s1  }
0x3cb: {  	s0 =	simm.s32 @!p0 $0x5  }
0x3cc: {  	_ =	swait.ge @!p0 [sflag:s0], s1  }
0x3cd: {  	s1 =	ssub.s32 @!p0 $0x0, s1;
	[sflag:s0] =	ssyncset.done @!p0 $0x0  }
0x3ce: {  	[sflag:s0] =	ssyncadd.s32 @!p0 s1  }
0x3cf: {  	[bflag:$0x3] =	sbarrier.arrive $0xFFFF  }
0x3d0: {  	_ =	shalt  }

</sc_bundles>
